<compile_context>
chip_gen: v7x
topology: tpu7x:2x2x1
jax: 0.10.2.dev20260603
libtpu: 0.0.44.dev20260713+nightly
codegen_flags: <defaults>
</compile_context>

<pallas_src>
import functools

import jax
import jax.numpy as jnp
from jax import lax
from jax.experimental import pallas as pl
from jax.experimental.pallas import tpu as pltpu
from jax.experimental.pallas import tpu_sc as plsc

_B, _S, _D = 16, 2048, 512
_HALF = _S // 2
_CHUNK = 64
_NCH = _HALF // _CHUNK
_NV = _S // 16

_mesh = plsc.VectorSubcoreMesh(core_axis_name="c", subcore_axis_name="s")


@functools.partial(
    pl.kernel,
    out_type=jax.ShapeDtypeStruct((_B * _S, _D), jnp.float32),
    mesh=_mesh,
    scratch_types=[
        pltpu.VMEM((_S,), jnp.int32),
        pltpu.VMEM((_S,), jnp.int32),
        pltpu.SMEM((_NV,), jnp.int32),
        pltpu.VMEM((_NCH, _CHUNK), jnp.int32),
        pltpu.VMEM((_CHUNK, _D), jnp.float32),
        pltpu.VMEM((_CHUNK, _D), jnp.float32),
        pltpu.VMEM((_CHUNK, _D), jnp.float32),
        pltpu.SemaphoreType.DMA,
        pltpu.SemaphoreType.DMA,
        pltpu.SemaphoreType.DMA,
        pltpu.SemaphoreType.DMA,
        pltpu.SemaphoreType.DMA,
        pltpu.SemaphoreType.DMA,
    ],
    compiler_params=pltpu.CompilerParams(needs_layout_passes=False),
)
def _partition_kernel(table_hbm, nl_hbm, out_hbm, keys_v, pa_v, base_v, idx_v,
                      buf0_v, buf1_v, buf2_v,
                      gsem0, gsem1, gsem2, wsem0, wsem1, wsem2):
    b = lax.axis_index("s")
    h = lax.axis_index("c")

    pltpu.sync_copy(nl_hbm.at[b], keys_v)

    def scan_body(i, carry):
        for j in range(4):
            o = (i * 4 + j) * 16
            a = jnp.where(keys_v[pl.ds(o, 16)] != 0, 1, 0).astype(jnp.int32)
            pa_v[pl.ds(o, 16)] = plsc.cumsum(a)
        return carry

    lax.fori_loop(0, _NV // 4, scan_body, jnp.int32(0))

    def base_body(i, carry):
        t = pa_v[pl.ds(i * 16, 16)][15]
        base_v[i] = carry
        return carry + t

    a_total = lax.fori_loop(0, _NV, base_body, jnp.int32(0))

    def scatter_body(i, carry):
        for j in range(4):
            v = i * 4 + j
            o = v * 16
            i_vec = o + lax.iota(jnp.int32, 16)
            a = keys_v[pl.ds(o, 16)]
            pa = base_v[v] + pa_v[pl.ds(o, 16)]
            dest = jnp.where(a != 0, pa - 1, a_total + i_vec - pa)
            local = dest - h * _HALF
            mask = (local >= 0) & (local < _HALF)
            safe = jnp.where(mask, local, 0)
            plsc.store_scatter(
                idx_v,
                [safe >> 6, safe & (_CHUNK - 1)],
                b * _S + i_vec,
                mask=mask,
            )
        return carry

    lax.fori_loop(0, _NV // 4, scatter_body, jnp.int32(0))

    out_base = b * _S + h * _HALF
    bufs = (buf0_v, buf1_v, buf2_v)
    gsems = (gsem0, gsem1, gsem2)
    wsems = (wsem0, wsem1, wsem2)
    nbuf = 3
    gather = [None] * _NCH
    write = [None] * _NCH
    for c in range(_NCH):
        p = c % nbuf
        if c >= nbuf:
            write[c - nbuf].wait()
        gather[c] = pltpu.async_copy(table_hbm.at[idx_v.at[c]], bufs[p], gsems[p])
        if c >= 2:
            q = (c - 2) % nbuf
            gather[c - 2].wait()
            write[c - 2] = pltpu.async_copy(
                bufs[q],
                out_hbm.at[pl.ds(out_base + (c - 2) * _CHUNK, _CHUNK)],
                wsems[q],
            )
    for c in (_NCH - 2, _NCH - 1):
        gather[c].wait()
        write[c] = pltpu.async_copy(
            bufs[c % nbuf],
            out_hbm.at[pl.ds(out_base + c * _CHUNK, _CHUNK)],
            wsems[c % nbuf],
        )
    for c in range(_NCH - nbuf, _NCH):
        write[c].wait()


def kernel(sentout, nl_input):
    table = sentout.reshape(_B * _S, _D)
    nl = nl_input.astype(jnp.int32)
    out = _partition_kernel(table, nl)
    return out.reshape(_B, _S, _D)

# --- scband reference (transcript-rebuilt; emitter-appended) ---
"""Pipeline reference for scband-input-module-layer-5085241278807 (READ-ONLY COPY).

The authoritative reference and input builder live on the scoring server;
editing this copy changes nothing except your own understanding.
"""

import jax, jax.numpy as jnp
import numpy as np


def setup_inputs(seed: int = 0) -> dict:
    key = jax.random.key(seed)
    k1, k2 = jax.random.split(key)
    sentout = jax.random.normal(k1, (16, 2048, 512), dtype=jnp.float32)
    nl_input = jax.random.randint(k2, (16, 2048), 0, 2, dtype=jnp.int64)
    return {"sentout": sentout, "nl_input": nl_input}


def reference(sentout, nl_input):
    # Original TF: per batch row, gather rows of sentout where nl_input != 0
    # (in original order), then rows where nl_input == 0 (in original order),
    # and concatenate. This is a stable partition of the sequence dimension.
    # tf.where returns indices in row-major (ascending) order, so a stable
    # argsort on the key (nl_input == 0) reproduces it exactly.
    keys = (nl_input == 0).astype(jnp.int32)  # 0 for real tokens, 1 for padding
    order = jnp.argsort(keys, axis=1)  # jnp.argsort is stable
    return jnp.take_along_axis(sentout, order[:, :, None], axis=1)

if __name__ == "__main__":
    import jax
    _d = setup_inputs()
    print(jax.jit(kernel)(*tuple(_d.values())))

</pallas_src>

<mosaic_0001>
#map = affine_map<(d0, d1) -> (0, 0)>
module attributes {stable_mosaic.version = 14 : i64} {
  func.func @_partition_kernel(%arg0: i32, %arg1: i32, %arg2: memref<32768x512xf32, #tpu.memory_space<hbm>>, %arg3: memref<16x2048xi32, #tpu.memory_space<hbm>>, %arg4: memref<32768x512xf32, #tpu.memory_space<hbm>>, %arg5: memref<2048xi32, #tpu.memory_space<vmem>>, %arg6: memref<2048xi32, #tpu.memory_space<vmem>>, %arg7: memref<128xi32, #tpu.memory_space<smem>>, %arg8: memref<16x64xi32, #tpu.memory_space<vmem>>, %arg9: memref<64x512xf32, #tpu.memory_space<vmem>>, %arg10: memref<64x512xf32, #tpu.memory_space<vmem>>, %arg11: memref<64x512xf32, #tpu.memory_space<vmem>>, %arg12: memref<!tpu.dma_semaphore, #tpu.memory_space<semaphore_mem>>, %arg13: memref<!tpu.dma_semaphore, #tpu.memory_space<semaphore_mem>>, %arg14: memref<!tpu.dma_semaphore, #tpu.memory_space<semaphore_mem>>, %arg15: memref<!tpu.dma_semaphore, #tpu.memory_space<semaphore_mem>>, %arg16: memref<!tpu.dma_semaphore, #tpu.memory_space<semaphore_mem>>, %arg17: memref<!tpu.dma_semaphore, #tpu.memory_space<semaphore_mem>>) attributes {dimension_semantics = [#tpu.dimension_semantics<core_parallel>, #tpu.dimension_semantics<subcore_parallel>], iteration_bounds = array<i64: 2, 16>, scalar_prefetch = 0 : i64, scratch_operands = 13 : i64, tpu.core_type = #tpu.core_type<sc_vector_subcore>, window_params = [{transform_indices = #map}, {transform_indices = #map}, {transform_indices = #map}]} {
    "tpu.region"() ({
      %run_scoped3A = tpu.sem_alloc : memref<!tpu.dma_semaphore, #tpu.memory_space<semaphore_mem>>
      %dma_start3A_403 = arith.constant 0 : i32
      %dma_start3A_404 = tpu.memref_slice %arg3[%arg1, %dma_start3A_403] : memref<16x2048xi32, #tpu.memory_space<hbm>> -> memref<1x2048xi32, #tpu.memory_space<hbm>>
      %dma_start3A_405 = tpu.memref_squeeze %dma_start3A_404 : memref<1x2048xi32, #tpu.memory_space<hbm>> -> memref<2048xi32, #tpu.memory_space<hbm>>
      %dma_start3A_406 = arith.constant 0 : i32
      %dma_start3A_407 = tpu.memref_slice %arg3[%arg1, %dma_start3A_406] : memref<16x2048xi32, #tpu.memory_space<hbm>> -> memref<1x2048xi32, #tpu.memory_space<hbm>>
      %dma_start3A_408 = tpu.memref_squeeze %dma_start3A_407 : memref<1x2048xi32, #tpu.memory_space<hbm>> -> memref<2048xi32, #tpu.memory_space<hbm>>
      tpu.enqueue_dma source(%dma_start3A_408 : memref<2048xi32, #tpu.memory_space<hbm>>) target(%arg5 : memref<2048xi32, #tpu.memory_space<vmem>>) target_semaphore(%run_scoped3A : memref<!tpu.dma_semaphore, #tpu.memory_space<semaphore_mem>>)
      %dma_wait3A_409 = arith.constant 0 : i32
      %dma_wait3A_410 = tpu.memref_slice %arg3[%arg1, %dma_wait3A_409] : memref<16x2048xi32, #tpu.memory_space<hbm>> -> memref<1x2048xi32, #tpu.memory_space<hbm>>
      %dma_wait3A_411 = tpu.memref_squeeze %dma_wait3A_410 : memref<1x2048xi32, #tpu.memory_space<hbm>> -> memref<2048xi32, #tpu.memory_space<hbm>>
      %dma_wait3A_412 = arith.constant 0 : i32
      %dma_wait3A_413 = tpu.memref_slice %arg3[%arg1, %dma_wait3A_412] : memref<16x2048xi32, #tpu.memory_space<hbm>> -> memref<1x2048xi32, #tpu.memory_space<hbm>>
      %dma_wait3A_414 = tpu.memref_squeeze %dma_wait3A_413 : memref<1x2048xi32, #tpu.memory_space<hbm>> -> memref<2048xi32, #tpu.memory_space<hbm>>
      tpu.wait_dma2 semaphore(%run_scoped3A : memref<!tpu.dma_semaphore, #tpu.memory_space<semaphore_mem>>) src(%dma_wait3A_414 : memref<2048xi32, #tpu.memory_space<hbm>>) dst(%arg5 : memref<2048xi32, #tpu.memory_space<vmem>>)
      tpu.yield
    }) : () -> ()
    %scan3A = arith.constant 0 : i32
    %scan3A_0 = arith.constant 0 : i32
    %scan3A_1 = arith.constant 32 : i32
    %scan3A_2 = arith.addi %scan3A_0, %scan3A_1 : i32
    %scan3A_3 = arith.constant 1 : i32
    scf.for %scan3A_403 = %scan3A_0 to %scan3A_2 step %scan3A_3  : i32 {
      %mul3A_404 = arith.constant 4 : i32
      %mul3A_405 = arith.muli %scan3A_403, %mul3A_404 : i32
      %add3A_406 = arith.constant 0 : i32
      %add3A_407 = arith.addi %mul3A_405, %add3A_406 : i32
      %mul3A_408 = arith.constant 16 : i32
      %mul3A_409 = arith.muli %add3A_407, %mul3A_408 : i32
      %get3A = arith.index_cast %mul3A_409 : i32 to index
      %get3A_410 = tpu.vector_load %arg5[%get3A] {strides = array<i32>} : memref<2048xi32, #tpu.memory_space<vmem>>, vector<16xi32>,
      %ne3A = arith.constant 0 : i32
      %ne3A_411 = vector.broadcast %ne3A : i32 to vector<16xi32>
      %ne3A_412 = arith.cmpi ne, %get3A_410, %ne3A_411 : vector<16xi32>
      %jit3A = arith.constant 1 : i32
      %jit3A_413 = arith.constant 0 : i32
      %broadcast_in_dim3A = vector.broadcast %jit3A : i32 to vector<16xi32>
      %broadcast_in_dim3A_414 = vector.broadcast %jit3A_413 : i32 to vector<16xi32>
      %select_n3A = arith.select %ne3A_412, %broadcast_in_dim3A, %broadcast_in_dim3A_414 : vector<16xi1>, vector<16xi32>
      %broadcast_in_dim3A_415 = arith.constant true
      %broadcast_in_dim3A_416 = vector.broadcast %broadcast_in_dim3A_415 : i1 to vector<16xi1>
      %masked_cumsum3A = tpu.scan <sum>, %select_n3A masked %broadcast_in_dim3A_416 : vector<16xi32>, vector<16xi1> -> vector<16xi32>
      %swap3A = arith.index_cast %mul3A_409 : i32 to index
      %swap3A_417 = tpu.vector_load %arg6[%swap3A] {strides = array<i32>} : memref<2048xi32, #tpu.memory_space<vmem>>, vector<16xi32>,
      tpu.vector_store %arg6[%swap3A], %masked_cumsum3A {strides = array<i32>} : memref<2048xi32, #tpu.memory_space<vmem>>, vector<16xi32>,
      %mul3A_418 = arith.constant 4 : i32
      %mul3A_419 = arith.muli %scan3A_403, %mul3A_418 : i32
      %add3A_420 = arith.constant 1 : i32
      %add3A_421 = arith.addi %mul3A_419, %add3A_420 : i32
      %mul3A_422 = arith.constant 16 : i32
      %mul3A_423 = arith.muli %add3A_421, %mul3A_422 : i32
      %get3A_424 = arith.index_cast %mul3A_423 : i32 to index
      %get3A_425 = tpu.vector_load %arg5[%get3A_424] {strides = array<i32>} : memref<2048xi32, #tpu.memory_space<vmem>>, vector<16xi32>,
      %ne3A_426 = arith.constant 0 : i32
      %ne3A_427 = vector.broadcast %ne3A_426 : i32 to vector<16xi32>
      %ne3A_428 = arith.cmpi ne, %get3A_425, %ne3A_427 : vector<16xi32>
      %jit3A_429 = arith.constant 1 : i32
      %jit3A_430 = arith.constant 0 : i32
      %broadcast_in_dim3A_431 = vector.broadcast %jit3A_429 : i32 to vector<16xi32>
      %broadcast_in_dim3A_432 = vector.broadcast %jit3A_430 : i32 to vector<16xi32>
      %select_n3A_433 = arith.select %ne3A_428, %broadcast_in_dim3A_431, %broadcast_in_dim3A_432 : vector<16xi1>, vector<16xi32>
      %broadcast_in_dim3A_434 = arith.constant true
      %broadcast_in_dim3A_435 = vector.broadcast %broadcast_in_dim3A_434 : i1 to vector<16xi1>
      %masked_cumsum3A_436 = tpu.scan <sum>, %select_n3A_433 masked %broadcast_in_dim3A_435 : vector<16xi32>, vector<16xi1> -> vector<16xi32>
      %swap3A_437 = arith.index_cast %mul3A_423 : i32 to index
      %swap3A_438 = tpu.vector_load %arg6[%swap3A_437] {strides = array<i32>} : memref<2048xi32, #tpu.memory_space<vmem>>, vector<16xi32>,
      tpu.vector_store %arg6[%swap3A_437], %masked_cumsum3A_436 {strides = array<i32>} : memref<2048xi32, #tpu.memory_space<vmem>>, vector<16xi32>,
      %mul3A_439 = arith.constant 4 : i32
      %mul3A_440 = arith.muli %scan3A_403, %mul3A_439 : i32
      %add3A_441 = arith.constant 2 : i32
      %add3A_442 = arith.addi %mul3A_440, %add3A_441 : i32
      %mul3A_443 = arith.constant 16 : i32
      %mul3A_444 = arith.muli %add3A_442, %mul3A_443 : i32
      %get3A_445 = arith.index_cast %mul3A_444 : i32 to index
      %get3A_446 = tpu.vector_load %arg5[%get3A_445] {strides = array<i32>} : memref<2048xi32, #tpu.memory_space<vmem>>, vector<16xi32>,
      %ne3A_447 = arith.constant 0 : i32
      %ne3A_448 = vector.broadcast %ne3A_447 : i32 to vector<16xi32>
      %ne3A_449 = arith.cmpi ne, %get3A_446, %ne3A_448 : vector<16xi32>
      %jit3A_450 = arith.constant 1 : i32
      %jit3A_451 = arith.constant 0 : i32
      %broadcast_in_dim3A_452 = vector.broadcast %jit3A_450 : i32 to vector<16xi32>
      %broadcast_in_dim3A_453 = vector.broadcast %jit3A_451 : i32 to vector<16xi32>
      %select_n3A_454 = arith.select %ne3A_449, %broadcast_in_dim3A_452, %broadcast_in_dim3A_453 : vector<16xi1>, vector<16xi32>
      %broadcast_in_dim3A_455 = arith.constant true
      %broadcast_in_dim3A_456 = vector.broadcast %broadcast_in_dim3A_455 : i1 to vector<16xi1>
      %masked_cumsum3A_457 = tpu.scan <sum>, %select_n3A_454 masked %broadcast_in_dim3A_456 : vector<16xi32>, vector<16xi1> -> vector<16xi32>
      %swap3A_458 = arith.index_cast %mul3A_444 : i32 to index
      %swap3A_459 = tpu.vector_load %arg6[%swap3A_458] {strides = array<i32>} : memref<2048xi32, #tpu.memory_space<vmem>>, vector<16xi32>,
      tpu.vector_store %arg6[%swap3A_458], %masked_cumsum3A_457 {strides = array<i32>} : memref<2048xi32, #tpu.memory_space<vmem>>, vector<16xi32>,
      %mul3A_460 = arith.constant 4 : i32
      %mul3A_461 = arith.muli %scan3A_403, %mul3A_460 : i32
      %add3A_462 = arith.constant 3 : i32
      %add3A_463 = arith.addi %mul3A_461, %add3A_462 : i32
      %mul3A_464 = arith.constant 16 : i32
      %mul3A_465 = arith.muli %add3A_463, %mul3A_464 : i32
      %get3A_466 = arith.index_cast %mul3A_465 : i32 to index
      %get3A_467 = tpu.vector_load %arg5[%get3A_466] {strides = array<i32>} : memref<2048xi32, #tpu.memory_space<vmem>>, vector<16xi32>,
      %ne3A_468 = arith.constant 0 : i32
      %ne3A_469 = vector.broadcast %ne3A_468 : i32 to vector<16xi32>
      %ne3A_470 = arith.cmpi ne, %get3A_467, %ne3A_469 : vector<16xi32>
      %jit3A_471 = arith.constant 1 : i32
      %jit3A_472 = arith.constant 0 : i32
      %broadcast_in_dim3A_473 = vector.broadcast %jit3A_471 : i32 to vector<16xi32>
      %broadcast_in_dim3A_474 = vector.broadcast %jit3A_472 : i32 to vector<16xi32>
      %select_n3A_475 = arith.select %ne3A_470, %broadcast_in_dim3A_473, %broadcast_in_dim3A_474 : vector<16xi1>, vector<16xi32>
      %broadcast_in_dim3A_476 = arith.constant true
      %broadcast_in_dim3A_477 = vector.broadcast %broadcast_in_dim3A_476 : i1 to vector<16xi1>
      %masked_cumsum3A_478 = tpu.scan <sum>, %select_n3A_475 masked %broadcast_in_dim3A_477 : vector<16xi32>, vector<16xi1> -> vector<16xi32>
      %swap3A_479 = arith.index_cast %mul3A_465 : i32 to index
      %swap3A_480 = tpu.vector_load %arg6[%swap3A_479] {strides = array<i32>} : memref<2048xi32, #tpu.memory_space<vmem>>, vector<16xi32>,
      tpu.vector_store %arg6[%swap3A_479], %masked_cumsum3A_478 {strides = array<i32>} : memref<2048xi32, #tpu.memory_space<vmem>>, vector<16xi32>,
    }
    %scan3A_4 = arith.constant 32 : i32
    %scan3A_5 = arith.constant 0 : i32
    %scan3A_6 = arith.constant 0 : i32
    %scan3A_7 = arith.constant 128 : i32
    %scan3A_8 = arith.addi %scan3A_6, %scan3A_7 : i32
    %scan3A_9 = arith.constant 1 : i32
    %scan3A_10 = scf.for %scan3A_403 = %scan3A_6 to %scan3A_8 step %scan3A_9 iter_args(%scan3A_404 = %scan3A_5) -> (i32)  : i32 {
      %mul3A_405 = arith.constant 16 : i32
      %mul3A_406 = arith.muli %scan3A_403, %mul3A_405 : i32
      %get3A = arith.index_cast %mul3A_406 : i32 to index
      %get3A_407 = tpu.vector_load %arg6[%get3A] {strides = array<i32>} : memref<2048xi32, #tpu.memory_space<vmem>>, vector<16xi32>,
      %slice3A = vector.extract_strided_slice %get3A_407 {offsets = [15], sizes = [1], strides = [1]} : vector<16xi32> to vector<1xi32>
      %squeeze3A = vector.extract %slice3A[0] : i32 from vector<1xi32>
      %swap3A = arith.index_cast %scan3A_403 : i32 to index
      %swap3A_408 = memref.load %arg7[%swap3A] : memref<128xi32, #tpu.memory_space<smem>>
      memref.store %scan3A_404, %arg7[%swap3A] : memref<128xi32, #tpu.memory_space<smem>>
      %add3A_409 = arith.addi %scan3A_404, %squeeze3A : i32
      scf.yield %add3A_409 : i32
    }
    %scan3A_11 = arith.constant 128 : i32
    %scan3A_12 = arith.constant 0 : i32
    %scan3A_13 = arith.constant 0 : i32
    %scan3A_14 = arith.constant 32 : i32
    %scan3A_15 = arith.addi %scan3A_13, %scan3A_14 : i32
    %scan3A_16 = arith.constant 1 : i32
    scf.for %scan3A_403 = %scan3A_13 to %scan3A_15 step %scan3A_16  : i32 {
      %mul3A_404 = arith.constant 4 : i32
      %mul3A_405 = arith.muli %scan3A_403, %mul3A_404 : i32
      %add3A_406 = arith.constant 0 : i32
      %add3A_407 = arith.addi %mul3A_405, %add3A_406 : i32
      %mul3A_408 = arith.constant 16 : i32
      %mul3A_409 = arith.muli %add3A_407, %mul3A_408 : i32
      %iota3A = tpu.iota {dimensions = array<i32: 0>} : vector<16xi32>
      %add3A_410 = vector.broadcast %mul3A_409 : i32 to vector<16xi32>
      %add3A_411 = arith.addi %add3A_410, %iota3A : vector<16xi32>
      %get3A = arith.index_cast %mul3A_409 : i32 to index
      %get3A_412 = tpu.vector_load %arg5[%get3A] {strides = array<i32>} : memref<2048xi32, #tpu.memory_space<vmem>>, vector<16xi32>,
      %get3A_413 = arith.index_cast %add3A_407 : i32 to index
      %get3A_414 = memref.load %arg7[%get3A_413] : memref<128xi32, #tpu.memory_space<smem>>
      %get3A_415 = arith.index_cast %mul3A_409 : i32 to index
      %get3A_416 = tpu.vector_load %arg6[%get3A_415] {strides = array<i32>} : memref<2048xi32, #tpu.memory_space<vmem>>, vector<16xi32>,
      %add3A_417 = vector.broadcast %get3A_414 : i32 to vector<16xi32>
      %add3A_418 = arith.addi %add3A_417, %get3A_416 : vector<16xi32>
      %ne3A = arith.constant 0 : i32
      %ne3A_419 = vector.broadcast %ne3A : i32 to vector<16xi32>
      %ne3A_420 = arith.cmpi ne, %get3A_412, %ne3A_419 : vector<16xi32>
      %sub3A = arith.constant 1 : i32
      %sub3A_421 = vector.broadcast %sub3A : i32 to vector<16xi32>
      %sub3A_422 = arith.subi %add3A_418, %sub3A_421 : vector<16xi32>
      %add3A_423 = vector.broadcast %scan3A_10 : i32 to vector<16xi32>
      %add3A_424 = arith.addi %add3A_423, %add3A_411 : vector<16xi32>
      %sub3A_425 = arith.subi %add3A_424, %add3A_418 : vector<16xi32>
      %select_n3A = arith.select %ne3A_420, %sub3A_422, %sub3A_425 : vector<16xi1>, vector<16xi32>
      %mul3A_426 = arith.constant 1024 : i32
      %mul3A_427 = arith.muli %arg0, %mul3A_426 : i32
      %sub3A_428 = vector.broadcast %mul3A_427 : i32 to vector<16xi32>
      %sub3A_429 = arith.subi %select_n3A, %sub3A_428 : vector<16xi32>
      %ge3A = arith.constant 0 : i32
      %ge3A_430 = vector.broadcast %ge3A : i32 to vector<16xi32>
      %ge3A_431 = arith.cmpi sge, %sub3A_429, %ge3A_430 : vector<16xi32>
      %lt3A = arith.constant 1024 : i32
      %lt3A_432 = vector.broadcast %lt3A : i32 to vector<16xi32>
      %lt3A_433 = arith.cmpi slt, %sub3A_429, %lt3A_432 : vector<16xi32>
      %and3A = arith.andi %ge3A_431, %lt3A_433 : vector<16xi1>
      %jit3A = arith.constant 0 : i32
      %broadcast_in_dim3A = vector.broadcast %jit3A : i32 to vector<16xi32>
      %select_n3A_434 = arith.select %and3A, %sub3A_429, %broadcast_in_dim3A : vector<16xi1>, vector<16xi32>
      %shift_right_arithmetic3A = arith.constant 6 : i32
      %shift_right_arithmetic3A_435 = vector.broadcast %shift_right_arithmetic3A : i32 to vector<16xi32>
      %shift_right_arithmetic3A_436 = arith.shrsi %select_n3A_434, %shift_right_arithmetic3A_435 : vector<16xi32>
      %and3A_437 = arith.constant 63 : i32
      %and3A_438 = vector.broadcast %and3A_437 : i32 to vector<16xi32>
      %and3A_439 = arith.andi %select_n3A_434, %and3A_438 : vector<16xi32>
      %mul3A_440 = arith.constant 2048 : i32
      %mul3A_441 = arith.muli %arg1, %mul3A_440 : i32
      %add3A_442 = vector.broadcast %mul3A_441 : i32 to vector<16xi32>
      %add3A_443 = arith.addi %add3A_442, %add3A_411 : vector<16xi32>
      tpu.vector_store_idx %arg8[%shift_right_arithmetic3A_436, %and3A_439], %add3A_443 masked %and3A : memref<16x64xi32, #tpu.memory_space<vmem>>[vector<16xi32>, vector<16xi32>], vector<16xi32>, vector<16xi1>
      %mul3A_444 = arith.constant 4 : i32
      %mul3A_445 = arith.muli %scan3A_403, %mul3A_444 : i32
      %add3A_446 = arith.constant 1 : i32
      %add3A_447 = arith.addi %mul3A_445, %add3A_446 : i32
      %mul3A_448 = arith.constant 16 : i32
      %mul3A_449 = arith.muli %add3A_447, %mul3A_448 : i32
      %iota3A_450 = tpu.iota {dimensions = array<i32: 0>} : vector<16xi32>
      %add3A_451 = vector.broadcast %mul3A_449 : i32 to vector<16xi32>
      %add3A_452 = arith.addi %add3A_451, %iota3A_450 : vector<16xi32>
      %get3A_453 = arith.index_cast %mul3A_449 : i32 to index
      %get3A_454 = tpu.vector_load %arg5[%get3A_453] {strides = array<i32>} : memref<2048xi32, #tpu.memory_space<vmem>>, vector<16xi32>,
      %get3A_455 = arith.index_cast %add3A_447 : i32 to index
      %get3A_456 = memref.load %arg7[%get3A_455] : memref<128xi32, #tpu.memory_space<smem>>
      %get3A_457 = arith.index_cast %mul3A_449 : i32 to index
      %get3A_458 = tpu.vector_load %arg6[%get3A_457] {strides = array<i32>} : memref<2048xi32, #tpu.memory_space<vmem>>, vector<16xi32>,
      %add3A_459 = vector.broadcast %get3A_456 : i32 to vector<16xi32>
      %add3A_460 = arith.addi %add3A_459, %get3A_458 : vector<16xi32>
      %ne3A_461 = arith.constant 0 : i32
      %ne3A_462 = vector.broadcast %ne3A_461 : i32 to vector<16xi32>
      %ne3A_463 = arith.cmpi ne, %get3A_454, %ne3A_462 : vector<16xi32>
      %sub3A_464 = arith.constant 1 : i32
      %sub3A_465 = vector.broadcast %sub3A_464 : i32 to vector<16xi32>
      %sub3A_466 = arith.subi %add3A_460, %sub3A_465 : vector<16xi32>
      %add3A_467 = vector.broadcast %scan3A_10 : i32 to vector<16xi32>
      %add3A_468 = arith.addi %add3A_467, %add3A_452 : vector<16xi32>
      %sub3A_469 = arith.subi %add3A_468, %add3A_460 : vector<16xi32>
      %select_n3A_470 = arith.select %ne3A_463, %sub3A_466, %sub3A_469 : vector<16xi1>, vector<16xi32>
      %mul3A_471 = arith.constant 1024 : i32
      %mul3A_472 = arith.muli %arg0, %mul3A_471 : i32
      %sub3A_473 = vector.broadcast %mul3A_472 : i32 to vector<16xi32>
      %sub3A_474 = arith.subi %select_n3A_470, %sub3A_473 : vector<16xi32>
      %ge3A_475 = arith.constant 0 : i32
      %ge3A_476 = vector.broadcast %ge3A_475 : i32 to vector<16xi32>
      %ge3A_477 = arith.cmpi sge, %sub3A_474, %ge3A_476 : vector<16xi32>
      %lt3A_478 = arith.constant 1024 : i32
      %lt3A_479 = vector.broadcast %lt3A_478 : i32 to vector<16xi32>
      %lt3A_480 = arith.cmpi slt, %sub3A_474, %lt3A_479 : vector<16xi32>
      %and3A_481 = arith.andi %ge3A_477, %lt3A_480 : vector<16xi1>
      %jit3A_482 = arith.constant 0 : i32
      %broadcast_in_dim3A_483 = vector.broadcast %jit3A_482 : i32 to vector<16xi32>
      %select_n3A_484 = arith.select %and3A_481, %sub3A_474, %broadcast_in_dim3A_483 : vector<16xi1>, vector<16xi32>
      %shift_right_arithmetic3A_485 = arith.constant 6 : i32
      %shift_right_arithmetic3A_486 = vector.broadcast %shift_right_arithmetic3A_485 : i32 to vector<16xi32>
      %shift_right_arithmetic3A_487 = arith.shrsi %select_n3A_484, %shift_right_arithmetic3A_486 : vector<16xi32>
      %and3A_488 = arith.constant 63 : i32
      %and3A_489 = vector.broadcast %and3A_488 : i32 to vector<16xi32>
      %and3A_490 = arith.andi %select_n3A_484, %and3A_489 : vector<16xi32>
      %mul3A_491 = arith.constant 2048 : i32
      %mul3A_492 = arith.muli %arg1, %mul3A_491 : i32
      %add3A_493 = vector.broadcast %mul3A_492 : i32 to vector<16xi32>
      %add3A_494 = arith.addi %add3A_493, %add3A_452 : vector<16xi32>
      tpu.vector_store_idx %arg8[%shift_right_arithmetic3A_487, %and3A_490], %add3A_494 masked %and3A_481 : memref<16x64xi32, #tpu.memory_space<vmem>>[vector<16xi32>, vector<16xi32>], vector<16xi32>, vector<16xi1>
      %mul3A_495 = arith.constant 4 : i32
      %mul3A_496 = arith.muli %scan3A_403, %mul3A_495 : i32
      %add3A_497 = arith.constant 2 : i32
      %add3A_498 = arith.addi %mul3A_496, %add3A_497 : i32
      %mul3A_499 = arith.constant 16 : i32
      %mul3A_500 = arith.muli %add3A_498, %mul3A_499 : i32
      %iota3A_501 = tpu.iota {dimensions = array<i32: 0>} : vector<16xi32>
      %add3A_502 = vector.broadcast %mul3A_500 : i32 to vector<16xi32>
      %add3A_503 = arith.addi %add3A_502, %iota3A_501 : vector<16xi32>
      %get3A_504 = arith.index_cast %mul3A_500 : i32 to index
      %get3A_505 = tpu.vector_load %arg5[%get3A_504] {strides = array<i32>} : memref<2048xi32, #tpu.memory_space<vmem>>, vector<16xi32>,
      %get3A_506 = arith.index_cast %add3A_498 : i32 to index
      %get3A_507 = memref.load %arg7[%get3A_506] : memref<128xi32, #tpu.memory_space<smem>>
      %get3A_508 = arith.index_cast %mul3A_500 : i32 to index
      %get3A_509 = tpu.vector_load %arg6[%get3A_508] {strides = array<i32>} : memref<2048xi32, #tpu.memory_space<vmem>>, vector<16xi32>,
      %add3A_510 = vector.broadcast %get3A_507 : i32 to vector<16xi32>
      %add3A_511 = arith.addi %add3A_510, %get3A_509 : vector<16xi32>
      %ne3A_512 = arith.constant 0 : i32
      %ne3A_513 = vector.broadcast %ne3A_512 : i32 to vector<16xi32>
      %ne3A_514 = arith.cmpi ne, %get3A_505, %ne3A_513 : vector<16xi32>
      %sub3A_515 = arith.constant 1 : i32
      %sub3A_516 = vector.broadcast %sub3A_515 : i32 to vector<16xi32>
      %sub3A_517 = arith.subi %add3A_511, %sub3A_516 : vector<16xi32>
      %add3A_518 = vector.broadcast %scan3A_10 : i32 to vector<16xi32>
      %add3A_519 = arith.addi %add3A_518, %add3A_503 : vector<16xi32>
      %sub3A_520 = arith.subi %add3A_519, %add3A_511 : vector<16xi32>
      %select_n3A_521 = arith.select %ne3A_514, %sub3A_517, %sub3A_520 : vector<16xi1>, vector<16xi32>
      %mul3A_522 = arith.constant 1024 : i32
      %mul3A_523 = arith.muli %arg0, %mul3A_522 : i32
      %sub3A_524 = vector.broadcast %mul3A_523 : i32 to vector<16xi32>
      %sub3A_525 = arith.subi %select_n3A_521, %sub3A_524 : vector<16xi32>
      %ge3A_526 = arith.constant 0 : i32
      %ge3A_527 = vector.broadcast %ge3A_526 : i32 to vector<16xi32>
      %ge3A_528 = arith.cmpi sge, %sub3A_525, %ge3A_527 : vector<16xi32>
      %lt3A_529 = arith.constant 1024 : i32
      %lt3A_530 = vector.broadcast %lt3A_529 : i32 to vector<16xi32>
      %lt3A_531 = arith.cmpi slt, %sub3A_525, %lt3A_530 : vector<16xi32>
      %and3A_532 = arith.andi %ge3A_528, %lt3A_531 : vector<16xi1>
      %jit3A_533 = arith.constant 0 : i32
      %broadcast_in_dim3A_534 = vector.broadcast %jit3A_533 : i32 to vector<16xi32>
      %select_n3A_535 = arith.select %and3A_532, %sub3A_525, %broadcast_in_dim3A_534 : vector<16xi1>, vector<16xi32>
      %shift_right_arithmetic3A_536 = arith.constant 6 : i32
      %shift_right_arithmetic3A_537 = vector.broadcast %shift_right_arithmetic3A_536 : i32 to vector<16xi32>
      %shift_right_arithmetic3A_538 = arith.shrsi %select_n3A_535, %shift_right_arithmetic3A_537 : vector<16xi32>
      %and3A_539 = arith.constant 63 : i32
      %and3A_540 = vector.broadcast %and3A_539 : i32 to vector<16xi32>
      %and3A_541 = arith.andi %select_n3A_535, %and3A_540 : vector<16xi32>
      %mul3A_542 = arith.constant 2048 : i32
      %mul3A_543 = arith.muli %arg1, %mul3A_542 : i32
      %add3A_544 = vector.broadcast %mul3A_543 : i32 to vector<16xi32>
      %add3A_545 = arith.addi %add3A_544, %add3A_503 : vector<16xi32>
      tpu.vector_store_idx %arg8[%shift_right_arithmetic3A_538, %and3A_541], %add3A_545 masked %and3A_532 : memref<16x64xi32, #tpu.memory_space<vmem>>[vector<16xi32>, vector<16xi32>], vector<16xi32>, vector<16xi1>
      %mul3A_546 = arith.constant 4 : i32
      %mul3A_547 = arith.muli %scan3A_403, %mul3A_546 : i32
      %add3A_548 = arith.constant 3 : i32
      %add3A_549 = arith.addi %mul3A_547, %add3A_548 : i32
      %mul3A_550 = arith.constant 16 : i32
      %mul3A_551 = arith.muli %add3A_549, %mul3A_550 : i32
      %iota3A_552 = tpu.iota {dimensions = array<i32: 0>} : vector<16xi32>
      %add3A_553 = vector.broadcast %mul3A_551 : i32 to vector<16xi32>
      %add3A_554 = arith.addi %add3A_553, %iota3A_552 : vector<16xi32>
      %get3A_555 = arith.index_cast %mul3A_551 : i32 to index
      %get3A_556 = tpu.vector_load %arg5[%get3A_555] {strides = array<i32>} : memref<2048xi32, #tpu.memory_space<vmem>>, vector<16xi32>,
      %get3A_557 = arith.index_cast %add3A_549 : i32 to index
      %get3A_558 = memref.load %arg7[%get3A_557] : memref<128xi32, #tpu.memory_space<smem>>
      %get3A_559 = arith.index_cast %mul3A_551 : i32 to index
      %get3A_560 = tpu.vector_load %arg6[%get3A_559] {strides = array<i32>} : memref<2048xi32, #tpu.memory_space<vmem>>, vector<16xi32>,
      %add3A_561 = vector.broadcast %get3A_558 : i32 to vector<16xi32>
      %add3A_562 = arith.addi %add3A_561, %get3A_560 : vector<16xi32>
      %ne3A_563 = arith.constant 0 : i32
      %ne3A_564 = vector.broadcast %ne3A_563 : i32 to vector<16xi32>
      %ne3A_565 = arith.cmpi ne, %get3A_556, %ne3A_564 : vector<16xi32>
      %sub3A_566 = arith.constant 1 : i32
      %sub3A_567 = vector.broadcast %sub3A_566 : i32 to vector<16xi32>
      %sub3A_568 = arith.subi %add3A_562, %sub3A_567 : vector<16xi32>
      %add3A_569 = vector.broadcast %scan3A_10 : i32 to vector<16xi32>
      %add3A_570 = arith.addi %add3A_569, %add3A_554 : vector<16xi32>
      %sub3A_571 = arith.subi %add3A_570, %add3A_562 : vector<16xi32>
      %select_n3A_572 = arith.select %ne3A_565, %sub3A_568, %sub3A_571 : vector<16xi1>, vector<16xi32>
      %mul3A_573 = arith.constant 1024 : i32
      %mul3A_574 = arith.muli %arg0, %mul3A_573 : i32
      %sub3A_575 = vector.broadcast %mul3A_574 : i32 to vector<16xi32>
      %sub3A_576 = arith.subi %select_n3A_572, %sub3A_575 : vector<16xi32>
      %ge3A_577 = arith.constant 0 : i32
      %ge3A_578 = vector.broadcast %ge3A_577 : i32 to vector<16xi32>
      %ge3A_579 = arith.cmpi sge, %sub3A_576, %ge3A_578 : vector<16xi32>
      %lt3A_580 = arith.constant 1024 : i32
      %lt3A_581 = vector.broadcast %lt3A_580 : i32 to vector<16xi32>
      %lt3A_582 = arith.cmpi slt, %sub3A_576, %lt3A_581 : vector<16xi32>
      %and3A_583 = arith.andi %ge3A_579, %lt3A_582 : vector<16xi1>
      %jit3A_584 = arith.constant 0 : i32
      %broadcast_in_dim3A_585 = vector.broadcast %jit3A_584 : i32 to vector<16xi32>
      %select_n3A_586 = arith.select %and3A_583, %sub3A_576, %broadcast_in_dim3A_585 : vector<16xi1>, vector<16xi32>
      %shift_right_arithmetic3A_587 = arith.constant 6 : i32
      %shift_right_arithmetic3A_588 = vector.broadcast %shift_right_arithmetic3A_587 : i32 to vector<16xi32>
      %shift_right_arithmetic3A_589 = arith.shrsi %select_n3A_586, %shift_right_arithmetic3A_588 : vector<16xi32>
      %and3A_590 = arith.constant 63 : i32
      %and3A_591 = vector.broadcast %and3A_590 : i32 to vector<16xi32>
      %and3A_592 = arith.andi %select_n3A_586, %and3A_591 : vector<16xi32>
      %mul3A_593 = arith.constant 2048 : i32
      %mul3A_594 = arith.muli %arg1, %mul3A_593 : i32
      %add3A_595 = vector.broadcast %mul3A_594 : i32 to vector<16xi32>
      %add3A_596 = arith.addi %add3A_595, %add3A_554 : vector<16xi32>
      tpu.vector_store_idx %arg8[%shift_right_arithmetic3A_589, %and3A_592], %add3A_596 masked %and3A_583 : memref<16x64xi32, #tpu.memory_space<vmem>>[vector<16xi32>, vector<16xi32>], vector<16xi32>, vector<16xi1>
    }
    %scan3A_17 = arith.constant 32 : i32
    %mul3A = arith.constant 2048 : i32
    %mul3A_18 = arith.muli %arg1, %mul3A : i32
    %mul3A_19 = arith.constant 1024 : i32
    %mul3A_20 = arith.muli %arg0, %mul3A_19 : i32
    %add3A = arith.addi %mul3A_18, %mul3A_20 : i32
    %dma_start3A = arith.constant 0 : i32
    %dma_start3A_21 = arith.constant 0 : i32
    %dma_start3A_22 = tpu.memref_slice %arg8[%dma_start3A, %dma_start3A_21] : memref<16x64xi32, #tpu.memory_space<vmem>> -> memref<1x64xi32, #tpu.memory_space<vmem>>
    %dma_start3A_23 = tpu.memref_squeeze %dma_start3A_22 : memref<1x64xi32, #tpu.memory_space<vmem>> -> memref<64xi32, #tpu.memory_space<vmem>>
    %dma_start3A_24 = arith.constant 0 : i32
    %dma_start3A_25 = arith.constant 0 : i32
    %dma_start3A_26 = tpu.memref_slice %arg2[%dma_start3A_24, %dma_start3A_25] : memref<32768x512xf32, #tpu.memory_space<hbm>> -> memref<32768x512xf32, #tpu.memory_space<hbm>>
    tpu.enqueue_indirect_dma source(%dma_start3A_26 : memref<32768x512xf32, #tpu.memory_space<hbm>>) target(%arg9 : memref<64x512xf32, #tpu.memory_space<vmem>>) offsets(%dma_start3A_23 : memref<64xi32, #tpu.memory_space<vmem>>) semaphore(%arg12 : memref<!tpu.dma_semaphore, #tpu.memory_space<semaphore_mem>>)
    %dma_start3A_27 = arith.constant 1 : i32
    %dma_start3A_28 = arith.constant 0 : i32
    %dma_start3A_29 = tpu.memref_slice %arg8[%dma_start3A_27, %dma_start3A_28] : memref<16x64xi32, #tpu.memory_space<vmem>> -> memref<1x64xi32, #tpu.memory_space<vmem>>
    %dma_start3A_30 = tpu.memref_squeeze %dma_start3A_29 : memref<1x64xi32, #tpu.memory_space<vmem>> -> memref<64xi32, #tpu.memory_space<vmem>>
    %dma_start3A_31 = arith.constant 0 : i32
    %dma_start3A_32 = arith.constant 0 : i32
    %dma_start3A_33 = tpu.memref_slice %arg2[%dma_start3A_31, %dma_start3A_32] : memref<32768x512xf32, #tpu.memory_space<hbm>> -> memref<32768x512xf32, #tpu.memory_space<hbm>>
    tpu.enqueue_indirect_dma source(%dma_start3A_33 : memref<32768x512xf32, #tpu.memory_space<hbm>>) target(%arg10 : memref<64x512xf32, #tpu.memory_space<vmem>>) offsets(%dma_start3A_30 : memref<64xi32, #tpu.memory_space<vmem>>) semaphore(%arg13 : memref<!tpu.dma_semaphore, #tpu.memory_space<semaphore_mem>>)
    %dma_start3A_34 = arith.constant 2 : i32
    %dma_start3A_35 = arith.constant 0 : i32
    %dma_start3A_36 = tpu.memref_slice %arg8[%dma_start3A_34, %dma_start3A_35] : memref<16x64xi32, #tpu.memory_space<vmem>> -> memref<1x64xi32, #tpu.memory_space<vmem>>
    %dma_start3A_37 = tpu.memref_squeeze %dma_start3A_36 : memref<1x64xi32, #tpu.memory_space<vmem>> -> memref<64xi32, #tpu.memory_space<vmem>>
    %dma_start3A_38 = arith.constant 0 : i32
    %dma_start3A_39 = arith.constant 0 : i32
    %dma_start3A_40 = tpu.memref_slice %arg2[%dma_start3A_38, %dma_start3A_39] : memref<32768x512xf32, #tpu.memory_space<hbm>> -> memref<32768x512xf32, #tpu.memory_space<hbm>>
    tpu.enqueue_indirect_dma source(%dma_start3A_40 : memref<32768x512xf32, #tpu.memory_space<hbm>>) target(%arg11 : memref<64x512xf32, #tpu.memory_space<vmem>>) offsets(%dma_start3A_37 : memref<64xi32, #tpu.memory_space<vmem>>) semaphore(%arg14 : memref<!tpu.dma_semaphore, #tpu.memory_space<semaphore_mem>>)
    %dma_wait3A = arith.constant 0 : i32
    %dma_wait3A_41 = arith.constant 0 : i32
    %dma_wait3A_42 = tpu.memref_slice %arg8[%dma_wait3A, %dma_wait3A_41] : memref<16x64xi32, #tpu.memory_space<vmem>> -> memref<1x64xi32, #tpu.memory_space<vmem>>
    %dma_wait3A_43 = tpu.memref_squeeze %dma_wait3A_42 : memref<1x64xi32, #tpu.memory_space<vmem>> -> memref<64xi32, #tpu.memory_space<vmem>>
    %dma_wait3A_44 = arith.constant 0 : i32
    %dma_wait3A_45 = arith.constant 0 : i32
    %dma_wait3A_46 = tpu.memref_slice %arg2[%dma_wait3A_44, %dma_wait3A_45] : memref<32768x512xf32, #tpu.memory_space<hbm>> -> memref<32768x512xf32, #tpu.memory_space<hbm>>
    tpu.wait_indirect_dma semaphore(%arg12 : memref<!tpu.dma_semaphore, #tpu.memory_space<semaphore_mem>>) src(%dma_wait3A_46 : memref<32768x512xf32, #tpu.memory_space<hbm>>) dst(%arg9 : memref<64x512xf32, #tpu.memory_space<vmem>>)
    %add3A_47 = arith.constant 0 : i32
    %add3A_48 = arith.addi %add3A, %add3A_47 : i32
    %dma_start3A_49 = arith.constant 0 : i32
    %dma_start3A_50 = tpu.memref_slice %arg4[%add3A_48, %dma_start3A_49] : memref<32768x512xf32, #tpu.memory_space<hbm>> -> memref<64x512xf32, #tpu.memory_space<hbm>>
    %dma_start3A_51 = arith.constant 0 : i32
    %dma_start3A_52 = tpu.memref_slice %arg4[%add3A_48, %dma_start3A_51] : memref<32768x512xf32, #tpu.memory_space<hbm>> -> memref<64x512xf32, #tpu.memory_space<hbm>>
    tpu.enqueue_dma source(%arg9 : memref<64x512xf32, #tpu.memory_space<vmem>>) target(%dma_start3A_52 : memref<64x512xf32, #tpu.memory_space<hbm>>) target_semaphore(%arg15 : memref<!tpu.dma_semaphore, #tpu.memory_space<semaphore_mem>>)
    %dma_wait3A_53 = arith.constant 0 : i32
    %dma_wait3A_54 = tpu.memref_slice %arg4[%add3A_48, %dma_wait3A_53] : memref<32768x512xf32, #tpu.memory_space<hbm>> -> memref<64x512xf32, #tpu.memory_space<hbm>>
    %dma_wait3A_55 = arith.constant 0 : i32
    %dma_wait3A_56 = tpu.memref_slice %arg4[%add3A_48, %dma_wait3A_55] : memref<32768x512xf32, #tpu.memory_space<hbm>> -> memref<64x512xf32, #tpu.memory_space<hbm>>
    tpu.wait_dma2 semaphore(%arg15 : memref<!tpu.dma_semaphore, #tpu.memory_space<semaphore_mem>>) src(%arg9 : memref<64x512xf32, #tpu.memory_space<vmem>>) dst(%dma_wait3A_56 : memref<64x512xf32, #tpu.memory_space<hbm>>)
    %dma_start3A_57 = arith.constant 3 : i32
    %dma_start3A_58 = arith.constant 0 : i32
    %dma_start3A_59 = tpu.memref_slice %arg8[%dma_start3A_57, %dma_start3A_58] : memref<16x64xi32, #tpu.memory_space<vmem>> -> memref<1x64xi32, #tpu.memory_space<vmem>>
    %dma_start3A_60 = tpu.memref_squeeze %dma_start3A_59 : memref<1x64xi32, #tpu.memory_space<vmem>> -> memref<64xi32, #tpu.memory_space<vmem>>
    %dma_start3A_61 = arith.constant 0 : i32
    %dma_start3A_62 = arith.constant 0 : i32
    %dma_start3A_63 = tpu.memref_slice %arg2[%dma_start3A_61, %dma_start3A_62] : memref<32768x512xf32, #tpu.memory_space<hbm>> -> memref<32768x512xf32, #tpu.memory_space<hbm>>
    tpu.enqueue_indirect_dma source(%dma_start3A_63 : memref<32768x512xf32, #tpu.memory_space<hbm>>) target(%arg9 : memref<64x512xf32, #tpu.memory_space<vmem>>) offsets(%dma_start3A_60 : memref<64xi32, #tpu.memory_space<vmem>>) semaphore(%arg12 : memref<!tpu.dma_semaphore, #tpu.memory_space<semaphore_mem>>)
    %dma_wait3A_64 = arith.constant 1 : i32
    %dma_wait3A_65 = arith.constant 0 : i32
    %dma_wait3A_66 = tpu.memref_slice %arg8[%dma_wait3A_64, %dma_wait3A_65] : memref<16x64xi32, #tpu.memory_space<vmem>> -> memref<1x64xi32, #tpu.memory_space<vmem>>
    %dma_wait3A_67 = tpu.memref_squeeze %dma_wait3A_66 : memref<1x64xi32, #tpu.memory_space<vmem>> -> memref<64xi32, #tpu.memory_space<vmem>>
    %dma_wait3A_68 = arith.constant 0 : i32
    %dma_wait3A_69 = arith.constant 0 : i32
    %dma_wait3A_70 = tpu.memref_slice %arg2[%dma_wait3A_68, %dma_wait3A_69] : memref<32768x512xf32, #tpu.memory_space<hbm>> -> memref<32768x512xf32, #tpu.memory_space<hbm>>
    tpu.wait_indirect_dma semaphore(%arg13 : memref<!tpu.dma_semaphore, #tpu.memory_space<semaphore_mem>>) src(%dma_wait3A_70 : memref<32768x512xf32, #tpu.memory_space<hbm>>) dst(%arg10 : memref<64x512xf32, #tpu.memory_space<vmem>>)
    %add3A_71 = arith.constant 64 : i32
    %add3A_72 = arith.addi %add3A, %add3A_71 : i32
    %dma_start3A_73 = arith.constant 0 : i32
    %dma_start3A_74 = tpu.memref_slice %arg4[%add3A_72, %dma_start3A_73] : memref<32768x512xf32, #tpu.memory_space<hbm>> -> memref<64x512xf32, #tpu.memory_space<hbm>>
    %dma_start3A_75 = arith.constant 0 : i32
    %dma_start3A_76 = tpu.memref_slice %arg4[%add3A_72, %dma_start3A_75] : memref<32768x512xf32, #tpu.memory_space<hbm>> -> memref<64x512xf32, #tpu.memory_space<hbm>>
    tpu.enqueue_dma source(%arg10 : memref<64x512xf32, #tpu.memory_space<vmem>>) target(%dma_start3A_76 : memref<64x512xf32, #tpu.memory_space<hbm>>) target_semaphore(%arg16 : memref<!tpu.dma_semaphore, #tpu.memory_space<semaphore_mem>>)
    %dma_wait3A_77 = arith.constant 0 : i32
    %dma_wait3A_78 = tpu.memref_slice %arg4[%add3A_72, %dma_wait3A_77] : memref<32768x512xf32, #tpu.memory_space<hbm>> -> memref<64x512xf32, #tpu.memory_space<hbm>>
    %dma_wait3A_79 = arith.constant 0 : i32
    %dma_wait3A_80 = tpu.memref_slice %arg4[%add3A_72, %dma_wait3A_79] : memref<32768x512xf32, #tpu.memory_space<hbm>> -> memref<64x512xf32, #tpu.memory_space<hbm>>
    tpu.wait_dma2 semaphore(%arg16 : memref<!tpu.dma_semaphore, #tpu.memory_space<semaphore_mem>>) src(%arg10 : memref<64x512xf32, #tpu.memory_space<vmem>>) dst(%dma_wait3A_80 : memref<64x512xf32, #tpu.memory_space<hbm>>)
    %dma_start3A_81 = arith.constant 4 : i32
    %dma_start3A_82 = arith.constant 0 : i32
    %dma_start3A_83 = tpu.memref_slice %arg8[%dma_start3A_81, %dma_start3A_82] : memref<16x64xi32, #tpu.memory_space<vmem>> -> memref<1x64xi32, #tpu.memory_space<vmem>>
    %dma_start3A_84 = tpu.memref_squeeze %dma_start3A_83 : memref<1x64xi32, #tpu.memory_space<vmem>> -> memref<64xi32, #tpu.memory_space<vmem>>
    %dma_start3A_85 = arith.constant 0 : i32
    %dma_start3A_86 = arith.constant 0 : i32
    %dma_start3A_87 = tpu.memref_slice %arg2[%dma_start3A_85, %dma_start3A_86] : memref<32768x512xf32, #tpu.memory_space<hbm>> -> memref<32768x512xf32, #tpu.memory_space<hbm>>
    tpu.enqueue_indirect_dma source(%dma_start3A_87 : memref<32768x512xf32, #tpu.memory_space<hbm>>) target(%arg10 : memref<64x512xf32, #tpu.memory_space<vmem>>) offsets(%dma_start3A_84 : memref<64xi32, #tpu.memory_space<vmem>>) semaphore(%arg13 : memref<!tpu.dma_semaphore, #tpu.memory_space<semaphore_mem>>)
    %dma_wait3A_88 = arith.constant 2 : i32
    %dma_wait3A_89 = arith.constant 0 : i32
    %dma_wait3A_90 = tpu.memref_slice %arg8[%dma_wait3A_88, %dma_wait3A_89] : memref<16x64xi32, #tpu.memory_space<vmem>> -> memref<1x64xi32, #tpu.memory_space<vmem>>
    %dma_wait3A_91 = tpu.memref_squeeze %dma_wait3A_90 : memref<1x64xi32, #tpu.memory_space<vmem>> -> memref<64xi32, #tpu.memory_space<vmem>>
    %dma_wait3A_92 = arith.constant 0 : i32
    %dma_wait3A_93 = arith.constant 0 : i32
    %dma_wait3A_94 = tpu.memref_slice %arg2[%dma_wait3A_92, %dma_wait3A_93] : memref<32768x512xf32, #tpu.memory_space<hbm>> -> memref<32768x512xf32, #tpu.memory_space<hbm>>
    tpu.wait_indirect_dma semaphore(%arg14 : memref<!tpu.dma_semaphore, #tpu.memory_space<semaphore_mem>>) src(%dma_wait3A_94 : memref<32768x512xf32, #tpu.memory_space<hbm>>) dst(%arg11 : memref<64x512xf32, #tpu.memory_space<vmem>>)
    %add3A_95 = arith.constant 128 : i32
    %add3A_96 = arith.addi %add3A, %add3A_95 : i32
    %dma_start3A_97 = arith.constant 0 : i32
    %dma_start3A_98 = tpu.memref_slice %arg4[%add3A_96, %dma_start3A_97] : memref<32768x512xf32, #tpu.memory_space<hbm>> -> memref<64x512xf32, #tpu.memory_space<hbm>>
    %dma_start3A_99 = arith.constant 0 : i32
    %dma_start3A_100 = tpu.memref_slice %arg4[%add3A_96, %dma_start3A_99] : memref<32768x512xf32, #tpu.memory_space<hbm>> -> memref<64x512xf32, #tpu.memory_space<hbm>>
    tpu.enqueue_dma source(%arg11 : memref<64x512xf32, #tpu.memory_space<vmem>>) target(%dma_start3A_100 : memref<64x512xf32, #tpu.memory_space<hbm>>) target_semaphore(%arg17 : memref<!tpu.dma_semaphore, #tpu.memory_space<semaphore_mem>>)
    %dma_wait3A_101 = arith.constant 0 : i32
    %dma_wait3A_102 = tpu.memref_slice %arg4[%add3A_96, %dma_wait3A_101] : memref<32768x512xf32, #tpu.memory_space<hbm>> -> memref<64x512xf32, #tpu.memory_space<hbm>>
    %dma_wait3A_103 = arith.constant 0 : i32
    %dma_wait3A_104 = tpu.memref_slice %arg4[%add3A_96, %dma_wait3A_103] : memref<32768x512xf32, #tpu.memory_space<hbm>> -> memref<64x512xf32, #tpu.memory_space<hbm>>
    tpu.wait_dma2 semaphore(%arg17 : memref<!tpu.dma_semaphore, #tpu.memory_space<semaphore_mem>>) src(%arg11 : memref<64x512xf32, #tpu.memory_space<vmem>>) dst(%dma_wait3A_104 : memref<64x512xf32, #tpu.memory_space<hbm>>)
    %dma_start3A_105 = arith.constant 5 : i32
    %dma_start3A_106 = arith.constant 0 : i32
    %dma_start3A_107 = tpu.memref_slice %arg8[%dma_start3A_105, %dma_start3A_106] : memref<16x64xi32, #tpu.memory_space<vmem>> -> memref<1x64xi32, #tpu.memory_space<vmem>>
    %dma_start3A_108 = tpu.memref_squeeze %dma_start3A_107 : memref<1x64xi32, #tpu.memory_space<vmem>> -> memref<64xi32, #tpu.memory_space<vmem>>
    %dma_start3A_109 = arith.constant 0 : i32
    %dma_start3A_110 = arith.constant 0 : i32
    %dma_start3A_111 = tpu.memref_slice %arg2[%dma_start3A_109, %dma_start3A_110] : memref<32768x512xf32, #tpu.memory_space<hbm>> -> memref<32768x512xf32, #tpu.memory_space<hbm>>
    tpu.enqueue_indirect_dma source(%dma_start3A_111 : memref<32768x512xf32, #tpu.memory_space<hbm>>) target(%arg11 : memref<64x512xf32, #tpu.memory_space<vmem>>) offsets(%dma_start3A_108 : memref<64xi32, #tpu.memory_space<vmem>>) semaphore(%arg14 : memref<!tpu.dma_semaphore, #tpu.memory_space<semaphore_mem>>)
    %dma_wait3A_112 = arith.constant 3 : i32
    %dma_wait3A_113 = arith.constant 0 : i32
    %dma_wait3A_114 = tpu.memref_slice %arg8[%dma_wait3A_112, %dma_wait3A_113] : memref<16x64xi32, #tpu.memory_space<vmem>> -> memref<1x64xi32, #tpu.memory_space<vmem>>
    %dma_wait3A_115 = tpu.memref_squeeze %dma_wait3A_114 : memref<1x64xi32, #tpu.memory_space<vmem>> -> memref<64xi32, #tpu.memory_space<vmem>>
    %dma_wait3A_116 = arith.constant 0 : i32
    %dma_wait3A_117 = arith.constant 0 : i32
    %dma_wait3A_118 = tpu.memref_slice %arg2[%dma_wait3A_116, %dma_wait3A_117] : memref<32768x512xf32, #tpu.memory_space<hbm>> -> memref<32768x512xf32, #tpu.memory_space<hbm>>
    tpu.wait_indirect_dma semaphore(%arg12 : memref<!tpu.dma_semaphore, #tpu.memory_space<semaphore_mem>>) src(%dma_wait3A_118 : memref<32768x512xf32, #tpu.memory_space<hbm>>) dst(%arg9 : memref<64x512xf32, #tpu.memory_space<vmem>>)
    %add3A_119 = arith.constant 192 : i32
    %add3A_120 = arith.addi %add3A, %add3A_119 : i32
    %dma_start3A_121 = arith.constant 0 : i32
    %dma_start3A_122 = tpu.memref_slice %arg4[%add3A_120, %dma_start3A_121] : memref<32768x512xf32, #tpu.memory_space<hbm>> -> memref<64x512xf32, #tpu.memory_space<hbm>>
    %dma_start3A_123 = arith.constant 0 : i32
    %dma_start3A_124 = tpu.memref_slice %arg4[%add3A_120, %dma_start3A_123] : memref<32768x512xf32, #tpu.memory_space<hbm>> -> memref<64x512xf32, #tpu.memory_space<hbm>>
    tpu.enqueue_dma source(%arg9 : memref<64x512xf32, #tpu.memory_space<vmem>>) target(%dma_start3A_124 : memref<64x512xf32, #tpu.memory_space<hbm>>) target_semaphore(%arg15 : memref<!tpu.dma_semaphore, #tpu.memory_space<semaphore_mem>>)
    %dma_wait3A_125 = arith.constant 0 : i32
    %dma_wait3A_126 = tpu.memref_slice %arg4[%add3A_120, %dma_wait3A_125] : memref<32768x512xf32, #tpu.memory_space<hbm>> -> memref<64x512xf32, #tpu.memory_space<hbm>>
    %dma_wait3A_127 = arith.constant 0 : i32
    %dma_wait3A_128 = tpu.memref_slice %arg4[%add3A_120, %dma_wait3A_127] : memref<32768x512xf32, #tpu.memory_space<hbm>> -> memref<64x512xf32, #tpu.memory_space<hbm>>
    tpu.wait_dma2 semaphore(%arg15 : memref<!tpu.dma_semaphore, #tpu.memory_space<semaphore_mem>>) src(%arg9 : memref<64x512xf32, #tpu.memory_space<vmem>>) dst(%dma_wait3A_128 : memref<64x512xf32, #tpu.memory_space<hbm>>)
    %dma_start3A_129 = arith.constant 6 : i32
    %dma_start3A_130 = arith.constant 0 : i32
    %dma_start3A_131 = tpu.memref_slice %arg8[%dma_start3A_129, %dma_start3A_130] : memref<16x64xi32, #tpu.memory_space<vmem>> -> memref<1x64xi32, #tpu.memory_space<vmem>>
    %dma_start3A_132 = tpu.memref_squeeze %dma_start3A_131 : memref<1x64xi32, #tpu.memory_space<vmem>> -> memref<64xi32, #tpu.memory_space<vmem>>
    %dma_start3A_133 = arith.constant 0 : i32
    %dma_start3A_134 = arith.constant 0 : i32
    %dma_start3A_135 = tpu.memref_slice %arg2[%dma_start3A_133, %dma_start3A_134] : memref<32768x512xf32, #tpu.memory_space<hbm>> -> memref<32768x512xf32, #tpu.memory_space<hbm>>
    tpu.enqueue_indirect_dma source(%dma_start3A_135 : memref<32768x512xf32, #tpu.memory_space<hbm>>) target(%arg9 : memref<64x512xf32, #tpu.memory_space<vmem>>) offsets(%dma_start3A_132 : memref<64xi32, #tpu.memory_space<vmem>>) semaphore(%arg12 : memref<!tpu.dma_semaphore, #tpu.memory_space<semaphore_mem>>)
    %dma_wait3A_136 = arith.constant 4 : i32
    %dma_wait3A_137 = arith.constant 0 : i32
    %dma_wait3A_138 = tpu.memref_slice %arg8[%dma_wait3A_136, %dma_wait3A_137] : memref<16x64xi32, #tpu.memory_space<vmem>> -> memref<1x64xi32, #tpu.memory_space<vmem>>
    %dma_wait3A_139 = tpu.memref_squeeze %dma_wait3A_138 : memref<1x64xi32, #tpu.memory_space<vmem>> -> memref<64xi32, #tpu.memory_space<vmem>>
    %dma_wait3A_140 = arith.constant 0 : i32
    %dma_wait3A_141 = arith.constant 0 : i32
    %dma_wait3A_142 = tpu.memref_slice %arg2[%dma_wait3A_140, %dma_wait3A_141] : memref<32768x512xf32, #tpu.memory_space<hbm>> -> memref<32768x512xf32, #tpu.memory_space<hbm>>
    tpu.wait_indirect_dma semaphore(%arg13 : memref<!tpu.dma_semaphore, #tpu.memory_space<semaphore_mem>>) src(%dma_wait3A_142 : memref<32768x512xf32, #tpu.memory_space<hbm>>) dst(%arg10 : memref<64x512xf32, #tpu.memory_space<vmem>>)
    %add3A_143 = arith.constant 256 : i32
    %add3A_144 = arith.addi %add3A, %add3A_143 : i32
    %dma_start3A_145 = arith.constant 0 : i32
    %dma_start3A_146 = tpu.memref_slice %arg4[%add3A_144, %dma_start3A_145] : memref<32768x512xf32, #tpu.memory_space<hbm>> -> memref<64x512xf32, #tpu.memory_space<hbm>>
    %dma_start3A_147 = arith.constant 0 : i32
    %dma_start3A_148 = tpu.memref_slice %arg4[%add3A_144, %dma_start3A_147] : memref<32768x512xf32, #tpu.memory_space<hbm>> -> memref<64x512xf32, #tpu.memory_space<hbm>>
    tpu.enqueue_dma source(%arg10 : memref<64x512xf32, #tpu.memory_space<vmem>>) target(%dma_start3A_148 : memref<64x512xf32, #tpu.memory_space<hbm>>) target_semaphore(%arg16 : memref<!tpu.dma_semaphore, #tpu.memory_space<semaphore_mem>>)
    %dma_wait3A_149 = arith.constant 0 : i32
    %dma_wait3A_150 = tpu.memref_slice %arg4[%add3A_144, %dma_wait3A_149] : memref<32768x512xf32, #tpu.memory_space<hbm>> -> memref<64x512xf32, #tpu.memory_space<hbm>>
    %dma_wait3A_151 = arith.constant 0 : i32
    %dma_wait3A_152 = tpu.memref_slice %arg4[%add3A_144, %dma_wait3A_151] : memref<32768x512xf32, #tpu.memory_space<hbm>> -> memref<64x512xf32, #tpu.memory_space<hbm>>
    tpu.wait_dma2 semaphore(%arg16 : memref<!tpu.dma_semaphore, #tpu.memory_space<semaphore_mem>>) src(%arg10 : memref<64x512xf32, #tpu.memory_space<vmem>>) dst(%dma_wait3A_152 : memref<64x512xf32, #tpu.memory_space<hbm>>)
    %dma_start3A_153 = arith.constant 7 : i32
    %dma_start3A_154 = arith.constant 0 : i32
    %dma_start3A_155 = tpu.memref_slice %arg8[%dma_start3A_153, %dma_start3A_154] : memref<16x64xi32, #tpu.memory_space<vmem>> -> memref<1x64xi32, #tpu.memory_space<vmem>>
    %dma_start3A_156 = tpu.memref_squeeze %dma_start3A_155 : memref<1x64xi32, #tpu.memory_space<vmem>> -> memref<64xi32, #tpu.memory_space<vmem>>
    %dma_start3A_157 = arith.constant 0 : i32
    %dma_start3A_158 = arith.constant 0 : i32
    %dma_start3A_159 = tpu.memref_slice %arg2[%dma_start3A_157, %dma_start3A_158] : memref<32768x512xf32, #tpu.memory_space<hbm>> -> memref<32768x512xf32, #tpu.memory_space<hbm>>
    tpu.enqueue_indirect_dma source(%dma_start3A_159 : memref<32768x512xf32, #tpu.memory_space<hbm>>) target(%arg10 : memref<64x512xf32, #tpu.memory_space<vmem>>) offsets(%dma_start3A_156 : memref<64xi32, #tpu.memory_space<vmem>>) semaphore(%arg13 : memref<!tpu.dma_semaphore, #tpu.memory_space<semaphore_mem>>)
    %dma_wait3A_160 = arith.constant 5 : i32
    %dma_wait3A_161 = arith.constant 0 : i32
    %dma_wait3A_162 = tpu.memref_slice %arg8[%dma_wait3A_160, %dma_wait3A_161] : memref<16x64xi32, #tpu.memory_space<vmem>> -> memref<1x64xi32, #tpu.memory_space<vmem>>
    %dma_wait3A_163 = tpu.memref_squeeze %dma_wait3A_162 : memref<1x64xi32, #tpu.memory_space<vmem>> -> memref<64xi32, #tpu.memory_space<vmem>>
    %dma_wait3A_164 = arith.constant 0 : i32
    %dma_wait3A_165 = arith.constant 0 : i32
    %dma_wait3A_166 = tpu.memref_slice %arg2[%dma_wait3A_164, %dma_wait3A_165] : memref<32768x512xf32, #tpu.memory_space<hbm>> -> memref<32768x512xf32, #tpu.memory_space<hbm>>
    tpu.wait_indirect_dma semaphore(%arg14 : memref<!tpu.dma_semaphore, #tpu.memory_space<semaphore_mem>>) src(%dma_wait3A_166 : memref<32768x512xf32, #tpu.memory_space<hbm>>) dst(%arg11 : memref<64x512xf32, #tpu.memory_space<vmem>>)
    %add3A_167 = arith.constant 320 : i32
    %add3A_168 = arith.addi %add3A, %add3A_167 : i32
    %dma_start3A_169 = arith.constant 0 : i32
    %dma_start3A_170 = tpu.memref_slice %arg4[%add3A_168, %dma_start3A_169] : memref<32768x512xf32, #tpu.memory_space<hbm>> -> memref<64x512xf32, #tpu.memory_space<hbm>>
    %dma_start3A_171 = arith.constant 0 : i32
    %dma_start3A_172 = tpu.memref_slice %arg4[%add3A_168, %dma_start3A_171] : memref<32768x512xf32, #tpu.memory_space<hbm>> -> memref<64x512xf32, #tpu.memory_space<hbm>>
    tpu.enqueue_dma source(%arg11 : memref<64x512xf32, #tpu.memory_space<vmem>>) target(%dma_start3A_172 : memref<64x512xf32, #tpu.memory_space<hbm>>) target_semaphore(%arg17 : memref<!tpu.dma_semaphore, #tpu.memory_space<semaphore_mem>>)
    %dma_wait3A_173 = arith.constant 0 : i32
    %dma_wait3A_174 = tpu.memref_slice %arg4[%add3A_168, %dma_wait3A_173] : memref<32768x512xf32, #tpu.memory_space<hbm>> -> memref<64x512xf32, #tpu.memory_space<hbm>>
    %dma_wait3A_175 = arith.constant 0 : i32
    %dma_wait3A_176 = tpu.memref_slice %arg4[%add3A_168, %dma_wait3A_175] : memref<32768x512xf32, #tpu.memory_space<hbm>> -> memref<64x512xf32, #tpu.memory_space<hbm>>
    tpu.wait_dma2 semaphore(%arg17 : memref<!tpu.dma_semaphore, #tpu.memory_space<semaphore_mem>>) src(%arg11 : memref<64x512xf32, #tpu.memory_space<vmem>>) dst(%dma_wait3A_176 : memref<64x512xf32, #tpu.memory_space<hbm>>)
    %dma_start3A_177 = arith.constant 8 : i32
    %dma_start3A_178 = arith.constant 0 : i32
    %dma_start3A_179 = tpu.memref_slice %arg8[%dma_start3A_177, %dma_start3A_178] : memref<16x64xi32, #tpu.memory_space<vmem>> -> memref<1x64xi32, #tpu.memory_space<vmem>>
    %dma_start3A_180 = tpu.memref_squeeze %dma_start3A_179 : memref<1x64xi32, #tpu.memory_space<vmem>> -> memref<64xi32, #tpu.memory_space<vmem>>
    %dma_start3A_181 = arith.constant 0 : i32
    %dma_start3A_182 = arith.constant 0 : i32
    %dma_start3A_183 = tpu.memref_slice %arg2[%dma_start3A_181, %dma_start3A_182] : memref<32768x512xf32, #tpu.memory_space<hbm>> -> memref<32768x512xf32, #tpu.memory_space<hbm>>
    tpu.enqueue_indirect_dma source(%dma_start3A_183 : memref<32768x512xf32, #tpu.memory_space<hbm>>) target(%arg11 : memref<64x512xf32, #tpu.memory_space<vmem>>) offsets(%dma_start3A_180 : memref<64xi32, #tpu.memory_space<vmem>>) semaphore(%arg14 : memref<!tpu.dma_semaphore, #tpu.memory_space<semaphore_mem>>)
    %dma_wait3A_184 = arith.constant 6 : i32
    %dma_wait3A_185 = arith.constant 0 : i32
    %dma_wait3A_186 = tpu.memref_slice %arg8[%dma_wait3A_184, %dma_wait3A_185] : memref<16x64xi32, #tpu.memory_space<vmem>> -> memref<1x64xi32, #tpu.memory_space<vmem>>
    %dma_wait3A_187 = tpu.memref_squeeze %dma_wait3A_186 : memref<1x64xi32, #tpu.memory_space<vmem>> -> memref<64xi32, #tpu.memory_space<vmem>>
    %dma_wait3A_188 = arith.constant 0 : i32
    %dma_wait3A_189 = arith.constant 0 : i32
    %dma_wait3A_190 = tpu.memref_slice %arg2[%dma_wait3A_188, %dma_wait3A_189] : memref<32768x512xf32, #tpu.memory_space<hbm>> -> memref<32768x512xf32, #tpu.memory_space<hbm>>
    tpu.wait_indirect_dma semaphore(%arg12 : memref<!tpu.dma_semaphore, #tpu.memory_space<semaphore_mem>>) src(%dma_wait3A_190 : memref<32768x512xf32, #tpu.memory_space<hbm>>) dst(%arg9 : memref<64x512xf32, #tpu.memory_space<vmem>>)
    %add3A_191 = arith.constant 384 : i32
    %add3A_192 = arith.addi %add3A, %add3A_191 : i32
    %dma_start3A_193 = arith.constant 0 : i32
    %dma_start3A_194 = tpu.memref_slice %arg4[%add3A_192, %dma_start3A_193] : memref<32768x512xf32, #tpu.memory_space<hbm>> -> memref<64x512xf32, #tpu.memory_space<hbm>>
    %dma_start3A_195 = arith.constant 0 : i32
    %dma_start3A_196 = tpu.memref_slice %arg4[%add3A_192, %dma_start3A_195] : memref<32768x512xf32, #tpu.memory_space<hbm>> -> memref<64x512xf32, #tpu.memory_space<hbm>>
    tpu.enqueue_dma source(%arg9 : memref<64x512xf32, #tpu.memory_space<vmem>>) target(%dma_start3A_196 : memref<64x512xf32, #tpu.memory_space<hbm>>) target_semaphore(%arg15 : memref<!tpu.dma_semaphore, #tpu.memory_space<semaphore_mem>>)
    %dma_wait3A_197 = arith.constant 0 : i32
    %dma_wait3A_198 = tpu.memref_slice %arg4[%add3A_192, %dma_wait3A_197] : memref<32768x512xf32, #tpu.memory_space<hbm>> -> memref<64x512xf32, #tpu.memory_space<hbm>>
    %dma_wait3A_199 = arith.constant 0 : i32
    %dma_wait3A_200 = tpu.memref_slice %arg4[%add3A_192, %dma_wait3A_199] : memref<32768x512xf32, #tpu.memory_space<hbm>> -> memref<64x512xf32, #tpu.memory_space<hbm>>
    tpu.wait_dma2 semaphore(%arg15 : memref<!tpu.dma_semaphore, #tpu.memory_space<semaphore_mem>>) src(%arg9 : memref<64x512xf32, #tpu.memory_space<vmem>>) dst(%dma_wait3A_200 : memref<64x512xf32, #tpu.memory_space<hbm>>)
    %dma_start3A_201 = arith.constant 9 : i32
    %dma_start3A_202 = arith.constant 0 : i32
    %dma_start3A_203 = tpu.memref_slice %arg8[%dma_start3A_201, %dma_start3A_202] : memref<16x64xi32, #tpu.memory_space<vmem>> -> memref<1x64xi32, #tpu.memory_space<vmem>>
    %dma_start3A_204 = tpu.memref_squeeze %dma_start3A_203 : memref<1x64xi32, #tpu.memory_space<vmem>> -> memref<64xi32, #tpu.memory_space<vmem>>
    %dma_start3A_205 = arith.constant 0 : i32
    %dma_start3A_206 = arith.constant 0 : i32
    %dma_start3A_207 = tpu.memref_slice %arg2[%dma_start3A_205, %dma_start3A_206] : memref<32768x512xf32, #tpu.memory_space<hbm>> -> memref<32768x512xf32, #tpu.memory_space<hbm>>
    tpu.enqueue_indirect_dma source(%dma_start3A_207 : memref<32768x512xf32, #tpu.memory_space<hbm>>) target(%arg9 : memref<64x512xf32, #tpu.memory_space<vmem>>) offsets(%dma_start3A_204 : memref<64xi32, #tpu.memory_space<vmem>>) semaphore(%arg12 : memref<!tpu.dma_semaphore, #tpu.memory_space<semaphore_mem>>)
    %dma_wait3A_208 = arith.constant 7 : i32
    %dma_wait3A_209 = arith.constant 0 : i32
    %dma_wait3A_210 = tpu.memref_slice %arg8[%dma_wait3A_208, %dma_wait3A_209] : memref<16x64xi32, #tpu.memory_space<vmem>> -> memref<1x64xi32, #tpu.memory_space<vmem>>
    %dma_wait3A_211 = tpu.memref_squeeze %dma_wait3A_210 : memref<1x64xi32, #tpu.memory_space<vmem>> -> memref<64xi32, #tpu.memory_space<vmem>>
    %dma_wait3A_212 = arith.constant 0 : i32
    %dma_wait3A_213 = arith.constant 0 : i32
    %dma_wait3A_214 = tpu.memref_slice %arg2[%dma_wait3A_212, %dma_wait3A_213] : memref<32768x512xf32, #tpu.memory_space<hbm>> -> memref<32768x512xf32, #tpu.memory_space<hbm>>
    tpu.wait_indirect_dma semaphore(%arg13 : memref<!tpu.dma_semaphore, #tpu.memory_space<semaphore_mem>>) src(%dma_wait3A_214 : memref<32768x512xf32, #tpu.memory_space<hbm>>) dst(%arg10 : memref<64x512xf32, #tpu.memory_space<vmem>>)
    %add3A_215 = arith.constant 448 : i32
    %add3A_216 = arith.addi %add3A, %add3A_215 : i32
    %dma_start3A_217 = arith.constant 0 : i32
    %dma_start3A_218 = tpu.memref_slice %arg4[%add3A_216, %dma_start3A_217] : memref<32768x512xf32, #tpu.memory_space<hbm>> -> memref<64x512xf32, #tpu.memory_space<hbm>>
    %dma_start3A_219 = arith.constant 0 : i32
    %dma_start3A_220 = tpu.memref_slice %arg4[%add3A_216, %dma_start3A_219] : memref<32768x512xf32, #tpu.memory_space<hbm>> -> memref<64x512xf32, #tpu.memory_space<hbm>>
    tpu.enqueue_dma source(%arg10 : memref<64x512xf32, #tpu.memory_space<vmem>>) target(%dma_start3A_220 : memref<64x512xf32, #tpu.memory_space<hbm>>) target_semaphore(%arg16 : memref<!tpu.dma_semaphore, #tpu.memory_space<semaphore_mem>>)
    %dma_wait3A_221 = arith.constant 0 : i32
    %dma_wait3A_222 = tpu.memref_slice %arg4[%add3A_216, %dma_wait3A_221] : memref<32768x512xf32, #tpu.memory_space<hbm>> -> memref<64x512xf32, #tpu.memory_space<hbm>>
    %dma_wait3A_223 = arith.constant 0 : i32
    %dma_wait3A_224 = tpu.memref_slice %arg4[%add3A_216, %dma_wait3A_223] : memref<32768x512xf32, #tpu.memory_space<hbm>> -> memref<64x512xf32, #tpu.memory_space<hbm>>
    tpu.wait_dma2 semaphore(%arg16 : memref<!tpu.dma_semaphore, #tpu.memory_space<semaphore_mem>>) src(%arg10 : memref<64x512xf32, #tpu.memory_space<vmem>>) dst(%dma_wait3A_224 : memref<64x512xf32, #tpu.memory_space<hbm>>)
    %dma_start3A_225 = arith.constant 10 : i32
    %dma_start3A_226 = arith.constant 0 : i32
    %dma_start3A_227 = tpu.memref_slice %arg8[%dma_start3A_225, %dma_start3A_226] : memref<16x64xi32, #tpu.memory_space<vmem>> -> memref<1x64xi32, #tpu.memory_space<vmem>>
    %dma_start3A_228 = tpu.memref_squeeze %dma_start3A_227 : memref<1x64xi32, #tpu.memory_space<vmem>> -> memref<64xi32, #tpu.memory_space<vmem>>
    %dma_start3A_229 = arith.constant 0 : i32
    %dma_start3A_230 = arith.constant 0 : i32
    %dma_start3A_231 = tpu.memref_slice %arg2[%dma_start3A_229, %dma_start3A_230] : memref<32768x512xf32, #tpu.memory_space<hbm>> -> memref<32768x512xf32, #tpu.memory_space<hbm>>
    tpu.enqueue_indirect_dma source(%dma_start3A_231 : memref<32768x512xf32, #tpu.memory_space<hbm>>) target(%arg10 : memref<64x512xf32, #tpu.memory_space<vmem>>) offsets(%dma_start3A_228 : memref<64xi32, #tpu.memory_space<vmem>>) semaphore(%arg13 : memref<!tpu.dma_semaphore, #tpu.memory_space<semaphore_mem>>)
    %dma_wait3A_232 = arith.constant 8 : i32
    %dma_wait3A_233 = arith.constant 0 : i32
    %dma_wait3A_234 = tpu.memref_slice %arg8[%dma_wait3A_232, %dma_wait3A_233] : memref<16x64xi32, #tpu.memory_space<vmem>> -> memref<1x64xi32, #tpu.memory_space<vmem>>
    %dma_wait3A_235 = tpu.memref_squeeze %dma_wait3A_234 : memref<1x64xi32, #tpu.memory_space<vmem>> -> memref<64xi32, #tpu.memory_space<vmem>>
    %dma_wait3A_236 = arith.constant 0 : i32
    %dma_wait3A_237 = arith.constant 0 : i32
    %dma_wait3A_238 = tpu.memref_slice %arg2[%dma_wait3A_236, %dma_wait3A_237] : memref<32768x512xf32, #tpu.memory_space<hbm>> -> memref<32768x512xf32, #tpu.memory_space<hbm>>
    tpu.wait_indirect_dma semaphore(%arg14 : memref<!tpu.dma_semaphore, #tpu.memory_space<semaphore_mem>>) src(%dma_wait3A_238 : memref<32768x512xf32, #tpu.memory_space<hbm>>) dst(%arg11 : memref<64x512xf32, #tpu.memory_space<vmem>>)
    %add3A_239 = arith.constant 512 : i32
    %add3A_240 = arith.addi %add3A, %add3A_239 : i32
    %dma_start3A_241 = arith.constant 0 : i32
    %dma_start3A_242 = tpu.memref_slice %arg4[%add3A_240, %dma_start3A_241] : memref<32768x512xf32, #tpu.memory_space<hbm>> -> memref<64x512xf32, #tpu.memory_space<hbm>>
    %dma_start3A_243 = arith.constant 0 : i32
    %dma_start3A_244 = tpu.memref_slice %arg4[%add3A_240, %dma_start3A_243] : memref<32768x512xf32, #tpu.memory_space<hbm>> -> memref<64x512xf32, #tpu.memory_space<hbm>>
    tpu.enqueue_dma source(%arg11 : memref<64x512xf32, #tpu.memory_space<vmem>>) target(%dma_start3A_244 : memref<64x512xf32, #tpu.memory_space<hbm>>) target_semaphore(%arg17 : memref<!tpu.dma_semaphore, #tpu.memory_space<semaphore_mem>>)
    %dma_wait3A_245 = arith.constant 0 : i32
    %dma_wait3A_246 = tpu.memref_slice %arg4[%add3A_240, %dma_wait3A_245] : memref<32768x512xf32, #tpu.memory_space<hbm>> -> memref<64x512xf32, #tpu.memory_space<hbm>>
    %dma_wait3A_247 = arith.constant 0 : i32
    %dma_wait3A_248 = tpu.memref_slice %arg4[%add3A_240, %dma_wait3A_247] : memref<32768x512xf32, #tpu.memory_space<hbm>> -> memref<64x512xf32, #tpu.memory_space<hbm>>
    tpu.wait_dma2 semaphore(%arg17 : memref<!tpu.dma_semaphore, #tpu.memory_space<semaphore_mem>>) src(%arg11 : memref<64x512xf32, #tpu.memory_space<vmem>>) dst(%dma_wait3A_248 : memref<64x512xf32, #tpu.memory_space<hbm>>)
    %dma_start3A_249 = arith.constant 11 : i32
    %dma_start3A_250 = arith.constant 0 : i32
    %dma_start3A_251 = tpu.memref_slice %arg8[%dma_start3A_249, %dma_start3A_250] : memref<16x64xi32, #tpu.memory_space<vmem>> -> memref<1x64xi32, #tpu.memory_space<vmem>>
    %dma_start3A_252 = tpu.memref_squeeze %dma_start3A_251 : memref<1x64xi32, #tpu.memory_space<vmem>> -> memref<64xi32, #tpu.memory_space<vmem>>
    %dma_start3A_253 = arith.constant 0 : i32
    %dma_start3A_254 = arith.constant 0 : i32
    %dma_start3A_255 = tpu.memref_slice %arg2[%dma_start3A_253, %dma_start3A_254] : memref<32768x512xf32, #tpu.memory_space<hbm>> -> memref<32768x512xf32, #tpu.memory_space<hbm>>
    tpu.enqueue_indirect_dma source(%dma_start3A_255 : memref<32768x512xf32, #tpu.memory_space<hbm>>) target(%arg11 : memref<64x512xf32, #tpu.memory_space<vmem>>) offsets(%dma_start3A_252 : memref<64xi32, #tpu.memory_space<vmem>>) semaphore(%arg14 : memref<!tpu.dma_semaphore, #tpu.memory_space<semaphore_mem>>)
    %dma_wait3A_256 = arith.constant 9 : i32
    %dma_wait3A_257 = arith.constant 0 : i32
    %dma_wait3A_258 = tpu.memref_slice %arg8[%dma_wait3A_256, %dma_wait3A_257] : memref<16x64xi32, #tpu.memory_space<vmem>> -> memref<1x64xi32, #tpu.memory_space<vmem>>
    %dma_wait3A_259 = tpu.memref_squeeze %dma_wait3A_258 : memref<1x64xi32, #tpu.memory_space<vmem>> -> memref<64xi32, #tpu.memory_space<vmem>>
    %dma_wait3A_260 = arith.constant 0 : i32
    %dma_wait3A_261 = arith.constant 0 : i32
    %dma_wait3A_262 = tpu.memref_slice %arg2[%dma_wait3A_260, %dma_wait3A_261] : memref<32768x512xf32, #tpu.memory_space<hbm>> -> memref<32768x512xf32, #tpu.memory_space<hbm>>
    tpu.wait_indirect_dma semaphore(%arg12 : memref<!tpu.dma_semaphore, #tpu.memory_space<semaphore_mem>>) src(%dma_wait3A_262 : memref<32768x512xf32, #tpu.memory_space<hbm>>) dst(%arg9 : memref<64x512xf32, #tpu.memory_space<vmem>>)
    %add3A_263 = arith.constant 576 : i32
    %add3A_264 = arith.addi %add3A, %add3A_263 : i32
    %dma_start3A_265 = arith.constant 0 : i32
    %dma_start3A_266 = tpu.memref_slice %arg4[%add3A_264, %dma_start3A_265] : memref<32768x512xf32, #tpu.memory_space<hbm>> -> memref<64x512xf32, #tpu.memory_space<hbm>>
    %dma_start3A_267 = arith.constant 0 : i32
    %dma_start3A_268 = tpu.memref_slice %arg4[%add3A_264, %dma_start3A_267] : memref<32768x512xf32, #tpu.memory_space<hbm>> -> memref<64x512xf32, #tpu.memory_space<hbm>>
    tpu.enqueue_dma source(%arg9 : memref<64x512xf32, #tpu.memory_space<vmem>>) target(%dma_start3A_268 : memref<64x512xf32, #tpu.memory_space<hbm>>) target_semaphore(%arg15 : memref<!tpu.dma_semaphore, #tpu.memory_space<semaphore_mem>>)
    %dma_wait3A_269 = arith.constant 0 : i32
    %dma_wait3A_270 = tpu.memref_slice %arg4[%add3A_264, %dma_wait3A_269] : memref<32768x512xf32, #tpu.memory_space<hbm>> -> memref<64x512xf32, #tpu.memory_space<hbm>>
    %dma_wait3A_271 = arith.constant 0 : i32
    %dma_wait3A_272 = tpu.memref_slice %arg4[%add3A_264, %dma_wait3A_271] : memref<32768x512xf32, #tpu.memory_space<hbm>> -> memref<64x512xf32, #tpu.memory_space<hbm>>
    tpu.wait_dma2 semaphore(%arg15 : memref<!tpu.dma_semaphore, #tpu.memory_space<semaphore_mem>>) src(%arg9 : memref<64x512xf32, #tpu.memory_space<vmem>>) dst(%dma_wait3A_272 : memref<64x512xf32, #tpu.memory_space<hbm>>)
    %dma_start3A_273 = arith.constant 12 : i32
    %dma_start3A_274 = arith.constant 0 : i32
    %dma_start3A_275 = tpu.memref_slice %arg8[%dma_start3A_273, %dma_start3A_274] : memref<16x64xi32, #tpu.memory_space<vmem>> -> memref<1x64xi32, #tpu.memory_space<vmem>>
    %dma_start3A_276 = tpu.memref_squeeze %dma_start3A_275 : memref<1x64xi32, #tpu.memory_space<vmem>> -> memref<64xi32, #tpu.memory_space<vmem>>
    %dma_start3A_277 = arith.constant 0 : i32
    %dma_start3A_278 = arith.constant 0 : i32
    %dma_start3A_279 = tpu.memref_slice %arg2[%dma_start3A_277, %dma_start3A_278] : memref<32768x512xf32, #tpu.memory_space<hbm>> -> memref<32768x512xf32, #tpu.memory_space<hbm>>
    tpu.enqueue_indirect_dma source(%dma_start3A_279 : memref<32768x512xf32, #tpu.memory_space<hbm>>) target(%arg9 : memref<64x512xf32, #tpu.memory_space<vmem>>) offsets(%dma_start3A_276 : memref<64xi32, #tpu.memory_space<vmem>>) semaphore(%arg12 : memref<!tpu.dma_semaphore, #tpu.memory_space<semaphore_mem>>)
    %dma_wait3A_280 = arith.constant 10 : i32
    %dma_wait3A_281 = arith.constant 0 : i32
    %dma_wait3A_282 = tpu.memref_slice %arg8[%dma_wait3A_280, %dma_wait3A_281] : memref<16x64xi32, #tpu.memory_space<vmem>> -> memref<1x64xi32, #tpu.memory_space<vmem>>
    %dma_wait3A_283 = tpu.memref_squeeze %dma_wait3A_282 : memref<1x64xi32, #tpu.memory_space<vmem>> -> memref<64xi32, #tpu.memory_space<vmem>>
    %dma_wait3A_284 = arith.constant 0 : i32
    %dma_wait3A_285 = arith.constant 0 : i32
    %dma_wait3A_286 = tpu.memref_slice %arg2[%dma_wait3A_284, %dma_wait3A_285] : memref<32768x512xf32, #tpu.memory_space<hbm>> -> memref<32768x512xf32, #tpu.memory_space<hbm>>
    tpu.wait_indirect_dma semaphore(%arg13 : memref<!tpu.dma_semaphore, #tpu.memory_space<semaphore_mem>>) src(%dma_wait3A_286 : memref<32768x512xf32, #tpu.memory_space<hbm>>) dst(%arg10 : memref<64x512xf32, #tpu.memory_space<vmem>>)
    %add3A_287 = arith.constant 640 : i32
    %add3A_288 = arith.addi %add3A, %add3A_287 : i32
    %dma_start3A_289 = arith.constant 0 : i32
    %dma_start3A_290 = tpu.memref_slice %arg4[%add3A_288, %dma_start3A_289] : memref<32768x512xf32, #tpu.memory_space<hbm>> -> memref<64x512xf32, #tpu.memory_space<hbm>>
    %dma_start3A_291 = arith.constant 0 : i32
    %dma_start3A_292 = tpu.memref_slice %arg4[%add3A_288, %dma_start3A_291] : memref<32768x512xf32, #tpu.memory_space<hbm>> -> memref<64x512xf32, #tpu.memory_space<hbm>>
    tpu.enqueue_dma source(%arg10 : memref<64x512xf32, #tpu.memory_space<vmem>>) target(%dma_start3A_292 : memref<64x512xf32, #tpu.memory_space<hbm>>) target_semaphore(%arg16 : memref<!tpu.dma_semaphore, #tpu.memory_space<semaphore_mem>>)
    %dma_wait3A_293 = arith.constant 0 : i32
    %dma_wait3A_294 = tpu.memref_slice %arg4[%add3A_288, %dma_wait3A_293] : memref<32768x512xf32, #tpu.memory_space<hbm>> -> memref<64x512xf32, #tpu.memory_space<hbm>>
    %dma_wait3A_295 = arith.constant 0 : i32
    %dma_wait3A_296 = tpu.memref_slice %arg4[%add3A_288, %dma_wait3A_295] : memref<32768x512xf32, #tpu.memory_space<hbm>> -> memref<64x512xf32, #tpu.memory_space<hbm>>
    tpu.wait_dma2 semaphore(%arg16 : memref<!tpu.dma_semaphore, #tpu.memory_space<semaphore_mem>>) src(%arg10 : memref<64x512xf32, #tpu.memory_space<vmem>>) dst(%dma_wait3A_296 : memref<64x512xf32, #tpu.memory_space<hbm>>)
    %dma_start3A_297 = arith.constant 13 : i32
    %dma_start3A_298 = arith.constant 0 : i32
    %dma_start3A_299 = tpu.memref_slice %arg8[%dma_start3A_297, %dma_start3A_298] : memref<16x64xi32, #tpu.memory_space<vmem>> -> memref<1x64xi32, #tpu.memory_space<vmem>>
    %dma_start3A_300 = tpu.memref_squeeze %dma_start3A_299 : memref<1x64xi32, #tpu.memory_space<vmem>> -> memref<64xi32, #tpu.memory_space<vmem>>
    %dma_start3A_301 = arith.constant 0 : i32
    %dma_start3A_302 = arith.constant 0 : i32
    %dma_start3A_303 = tpu.memref_slice %arg2[%dma_start3A_301, %dma_start3A_302] : memref<32768x512xf32, #tpu.memory_space<hbm>> -> memref<32768x512xf32, #tpu.memory_space<hbm>>
    tpu.enqueue_indirect_dma source(%dma_start3A_303 : memref<32768x512xf32, #tpu.memory_space<hbm>>) target(%arg10 : memref<64x512xf32, #tpu.memory_space<vmem>>) offsets(%dma_start3A_300 : memref<64xi32, #tpu.memory_space<vmem>>) semaphore(%arg13 : memref<!tpu.dma_semaphore, #tpu.memory_space<semaphore_mem>>)
    %dma_wait3A_304 = arith.constant 11 : i32
    %dma_wait3A_305 = arith.constant 0 : i32
    %dma_wait3A_306 = tpu.memref_slice %arg8[%dma_wait3A_304, %dma_wait3A_305] : memref<16x64xi32, #tpu.memory_space<vmem>> -> memref<1x64xi32, #tpu.memory_space<vmem>>
    %dma_wait3A_307 = tpu.memref_squeeze %dma_wait3A_306 : memref<1x64xi32, #tpu.memory_space<vmem>> -> memref<64xi32, #tpu.memory_space<vmem>>
    %dma_wait3A_308 = arith.constant 0 : i32
    %dma_wait3A_309 = arith.constant 0 : i32
    %dma_wait3A_310 = tpu.memref_slice %arg2[%dma_wait3A_308, %dma_wait3A_309] : memref<32768x512xf32, #tpu.memory_space<hbm>> -> memref<32768x512xf32, #tpu.memory_space<hbm>>
    tpu.wait_indirect_dma semaphore(%arg14 : memref<!tpu.dma_semaphore, #tpu.memory_space<semaphore_mem>>) src(%dma_wait3A_310 : memref<32768x512xf32, #tpu.memory_space<hbm>>) dst(%arg11 : memref<64x512xf32, #tpu.memory_space<vmem>>)
    %add3A_311 = arith.constant 704 : i32
    %add3A_312 = arith.addi %add3A, %add3A_311 : i32
    %dma_start3A_313 = arith.constant 0 : i32
    %dma_start3A_314 = tpu.memref_slice %arg4[%add3A_312, %dma_start3A_313] : memref<32768x512xf32, #tpu.memory_space<hbm>> -> memref<64x512xf32, #tpu.memory_space<hbm>>
    %dma_start3A_315 = arith.constant 0 : i32
    %dma_start3A_316 = tpu.memref_slice %arg4[%add3A_312, %dma_start3A_315] : memref<32768x512xf32, #tpu.memory_space<hbm>> -> memref<64x512xf32, #tpu.memory_space<hbm>>
    tpu.enqueue_dma source(%arg11 : memref<64x512xf32, #tpu.memory_space<vmem>>) target(%dma_start3A_316 : memref<64x512xf32, #tpu.memory_space<hbm>>) target_semaphore(%arg17 : memref<!tpu.dma_semaphore, #tpu.memory_space<semaphore_mem>>)
    %dma_wait3A_317 = arith.constant 0 : i32
    %dma_wait3A_318 = tpu.memref_slice %arg4[%add3A_312, %dma_wait3A_317] : memref<32768x512xf32, #tpu.memory_space<hbm>> -> memref<64x512xf32, #tpu.memory_space<hbm>>
    %dma_wait3A_319 = arith.constant 0 : i32
    %dma_wait3A_320 = tpu.memref_slice %arg4[%add3A_312, %dma_wait3A_319] : memref<32768x512xf32, #tpu.memory_space<hbm>> -> memref<64x512xf32, #tpu.memory_space<hbm>>
    tpu.wait_dma2 semaphore(%arg17 : memref<!tpu.dma_semaphore, #tpu.memory_space<semaphore_mem>>) src(%arg11 : memref<64x512xf32, #tpu.memory_space<vmem>>) dst(%dma_wait3A_320 : memref<64x512xf32, #tpu.memory_space<hbm>>)
    %dma_start3A_321 = arith.constant 14 : i32
    %dma_start3A_322 = arith.constant 0 : i32
    %dma_start3A_323 = tpu.memref_slice %arg8[%dma_start3A_321, %dma_start3A_322] : memref<16x64xi32, #tpu.memory_space<vmem>> -> memref<1x64xi32, #tpu.memory_space<vmem>>
    %dma_start3A_324 = tpu.memref_squeeze %dma_start3A_323 : memref<1x64xi32, #tpu.memory_space<vmem>> -> memref<64xi32, #tpu.memory_space<vmem>>
    %dma_start3A_325 = arith.constant 0 : i32
    %dma_start3A_326 = arith.constant 0 : i32
    %dma_start3A_327 = tpu.memref_slice %arg2[%dma_start3A_325, %dma_start3A_326] : memref<32768x512xf32, #tpu.memory_space<hbm>> -> memref<32768x512xf32, #tpu.memory_space<hbm>>
    tpu.enqueue_indirect_dma source(%dma_start3A_327 : memref<32768x512xf32, #tpu.memory_space<hbm>>) target(%arg11 : memref<64x512xf32, #tpu.memory_space<vmem>>) offsets(%dma_start3A_324 : memref<64xi32, #tpu.memory_space<vmem>>) semaphore(%arg14 : memref<!tpu.dma_semaphore, #tpu.memory_space<semaphore_mem>>)
    %dma_wait3A_328 = arith.constant 12 : i32
    %dma_wait3A_329 = arith.constant 0 : i32
    %dma_wait3A_330 = tpu.memref_slice %arg8[%dma_wait3A_328, %dma_wait3A_329] : memref<16x64xi32, #tpu.memory_space<vmem>> -> memref<1x64xi32, #tpu.memory_space<vmem>>
    %dma_wait3A_331 = tpu.memref_squeeze %dma_wait3A_330 : memref<1x64xi32, #tpu.memory_space<vmem>> -> memref<64xi32, #tpu.memory_space<vmem>>
    %dma_wait3A_332 = arith.constant 0 : i32
    %dma_wait3A_333 = arith.constant 0 : i32
    %dma_wait3A_334 = tpu.memref_slice %arg2[%dma_wait3A_332, %dma_wait3A_333] : memref<32768x512xf32, #tpu.memory_space<hbm>> -> memref<32768x512xf32, #tpu.memory_space<hbm>>
    tpu.wait_indirect_dma semaphore(%arg12 : memref<!tpu.dma_semaphore, #tpu.memory_space<semaphore_mem>>) src(%dma_wait3A_334 : memref<32768x512xf32, #tpu.memory_space<hbm>>) dst(%arg9 : memref<64x512xf32, #tpu.memory_space<vmem>>)
    %add3A_335 = arith.constant 768 : i32
    %add3A_336 = arith.addi %add3A, %add3A_335 : i32
    %dma_start3A_337 = arith.constant 0 : i32
    %dma_start3A_338 = tpu.memref_slice %arg4[%add3A_336, %dma_start3A_337] : memref<32768x512xf32, #tpu.memory_space<hbm>> -> memref<64x512xf32, #tpu.memory_space<hbm>>
    %dma_start3A_339 = arith.constant 0 : i32
    %dma_start3A_340 = tpu.memref_slice %arg4[%add3A_336, %dma_start3A_339] : memref<32768x512xf32, #tpu.memory_space<hbm>> -> memref<64x512xf32, #tpu.memory_space<hbm>>
    tpu.enqueue_dma source(%arg9 : memref<64x512xf32, #tpu.memory_space<vmem>>) target(%dma_start3A_340 : memref<64x512xf32, #tpu.memory_space<hbm>>) target_semaphore(%arg15 : memref<!tpu.dma_semaphore, #tpu.memory_space<semaphore_mem>>)
    %dma_wait3A_341 = arith.constant 0 : i32
    %dma_wait3A_342 = tpu.memref_slice %arg4[%add3A_336, %dma_wait3A_341] : memref<32768x512xf32, #tpu.memory_space<hbm>> -> memref<64x512xf32, #tpu.memory_space<hbm>>
    %dma_wait3A_343 = arith.constant 0 : i32
    %dma_wait3A_344 = tpu.memref_slice %arg4[%add3A_336, %dma_wait3A_343] : memref<32768x512xf32, #tpu.memory_space<hbm>> -> memref<64x512xf32, #tpu.memory_space<hbm>>
    tpu.wait_dma2 semaphore(%arg15 : memref<!tpu.dma_semaphore, #tpu.memory_space<semaphore_mem>>) src(%arg9 : memref<64x512xf32, #tpu.memory_space<vmem>>) dst(%dma_wait3A_344 : memref<64x512xf32, #tpu.memory_space<hbm>>)
    %dma_start3A_345 = arith.constant 15 : i32
    %dma_start3A_346 = arith.constant 0 : i32
    %dma_start3A_347 = tpu.memref_slice %arg8[%dma_start3A_345, %dma_start3A_346] : memref<16x64xi32, #tpu.memory_space<vmem>> -> memref<1x64xi32, #tpu.memory_space<vmem>>
    %dma_start3A_348 = tpu.memref_squeeze %dma_start3A_347 : memref<1x64xi32, #tpu.memory_space<vmem>> -> memref<64xi32, #tpu.memory_space<vmem>>
    %dma_start3A_349 = arith.constant 0 : i32
    %dma_start3A_350 = arith.constant 0 : i32
    %dma_start3A_351 = tpu.memref_slice %arg2[%dma_start3A_349, %dma_start3A_350] : memref<32768x512xf32, #tpu.memory_space<hbm>> -> memref<32768x512xf32, #tpu.memory_space<hbm>>
    tpu.enqueue_indirect_dma source(%dma_start3A_351 : memref<32768x512xf32, #tpu.memory_space<hbm>>) target(%arg9 : memref<64x512xf32, #tpu.memory_space<vmem>>) offsets(%dma_start3A_348 : memref<64xi32, #tpu.memory_space<vmem>>) semaphore(%arg12 : memref<!tpu.dma_semaphore, #tpu.memory_space<semaphore_mem>>)
    %dma_wait3A_352 = arith.constant 13 : i32
    %dma_wait3A_353 = arith.constant 0 : i32
    %dma_wait3A_354 = tpu.memref_slice %arg8[%dma_wait3A_352, %dma_wait3A_353] : memref<16x64xi32, #tpu.memory_space<vmem>> -> memref<1x64xi32, #tpu.memory_space<vmem>>
    %dma_wait3A_355 = tpu.memref_squeeze %dma_wait3A_354 : memref<1x64xi32, #tpu.memory_space<vmem>> -> memref<64xi32, #tpu.memory_space<vmem>>
    %dma_wait3A_356 = arith.constant 0 : i32
    %dma_wait3A_357 = arith.constant 0 : i32
    %dma_wait3A_358 = tpu.memref_slice %arg2[%dma_wait3A_356, %dma_wait3A_357] : memref<32768x512xf32, #tpu.memory_space<hbm>> -> memref<32768x512xf32, #tpu.memory_space<hbm>>
    tpu.wait_indirect_dma semaphore(%arg13 : memref<!tpu.dma_semaphore, #tpu.memory_space<semaphore_mem>>) src(%dma_wait3A_358 : memref<32768x512xf32, #tpu.memory_space<hbm>>) dst(%arg10 : memref<64x512xf32, #tpu.memory_space<vmem>>)
    %add3A_359 = arith.constant 832 : i32
    %add3A_360 = arith.addi %add3A, %add3A_359 : i32
    %dma_start3A_361 = arith.constant 0 : i32
    %dma_start3A_362 = tpu.memref_slice %arg4[%add3A_360, %dma_start3A_361] : memref<32768x512xf32, #tpu.memory_space<hbm>> -> memref<64x512xf32, #tpu.memory_space<hbm>>
    %dma_start3A_363 = arith.constant 0 : i32
    %dma_start3A_364 = tpu.memref_slice %arg4[%add3A_360, %dma_start3A_363] : memref<32768x512xf32, #tpu.memory_space<hbm>> -> memref<64x512xf32, #tpu.memory_space<hbm>>
    tpu.enqueue_dma source(%arg10 : memref<64x512xf32, #tpu.memory_space<vmem>>) target(%dma_start3A_364 : memref<64x512xf32, #tpu.memory_space<hbm>>) target_semaphore(%arg16 : memref<!tpu.dma_semaphore, #tpu.memory_space<semaphore_mem>>)
    %dma_wait3A_365 = arith.constant 14 : i32
    %dma_wait3A_366 = arith.constant 0 : i32
    %dma_wait3A_367 = tpu.memref_slice %arg8[%dma_wait3A_365, %dma_wait3A_366] : memref<16x64xi32, #tpu.memory_space<vmem>> -> memref<1x64xi32, #tpu.memory_space<vmem>>
    %dma_wait3A_368 = tpu.memref_squeeze %dma_wait3A_367 : memref<1x64xi32, #tpu.memory_space<vmem>> -> memref<64xi32, #tpu.memory_space<vmem>>
    %dma_wait3A_369 = arith.constant 0 : i32
    %dma_wait3A_370 = arith.constant 0 : i32
    %dma_wait3A_371 = tpu.memref_slice %arg2[%dma_wait3A_369, %dma_wait3A_370] : memref<32768x512xf32, #tpu.memory_space<hbm>> -> memref<32768x512xf32, #tpu.memory_space<hbm>>
    tpu.wait_indirect_dma semaphore(%arg14 : memref<!tpu.dma_semaphore, #tpu.memory_space<semaphore_mem>>) src(%dma_wait3A_371 : memref<32768x512xf32, #tpu.memory_space<hbm>>) dst(%arg11 : memref<64x512xf32, #tpu.memory_space<vmem>>)
    %add3A_372 = arith.constant 896 : i32
    %add3A_373 = arith.addi %add3A, %add3A_372 : i32
    %dma_start3A_374 = arith.constant 0 : i32
    %dma_start3A_375 = tpu.memref_slice %arg4[%add3A_373, %dma_start3A_374] : memref<32768x512xf32, #tpu.memory_space<hbm>> -> memref<64x512xf32, #tpu.memory_space<hbm>>
    %dma_start3A_376 = arith.constant 0 : i32
    %dma_start3A_377 = tpu.memref_slice %arg4[%add3A_373, %dma_start3A_376] : memref<32768x512xf32, #tpu.memory_space<hbm>> -> memref<64x512xf32, #tpu.memory_space<hbm>>
    tpu.enqueue_dma source(%arg11 : memref<64x512xf32, #tpu.memory_space<vmem>>) target(%dma_start3A_377 : memref<64x512xf32, #tpu.memory_space<hbm>>) target_semaphore(%arg17 : memref<!tpu.dma_semaphore, #tpu.memory_space<semaphore_mem>>)
    %dma_wait3A_378 = arith.constant 15 : i32
    %dma_wait3A_379 = arith.constant 0 : i32
    %dma_wait3A_380 = tpu.memref_slice %arg8[%dma_wait3A_378, %dma_wait3A_379] : memref<16x64xi32, #tpu.memory_space<vmem>> -> memref<1x64xi32, #tpu.memory_space<vmem>>
    %dma_wait3A_381 = tpu.memref_squeeze %dma_wait3A_380 : memref<1x64xi32, #tpu.memory_space<vmem>> -> memref<64xi32, #tpu.memory_space<vmem>>
    %dma_wait3A_382 = arith.constant 0 : i32
    %dma_wait3A_383 = arith.constant 0 : i32
    %dma_wait3A_384 = tpu.memref_slice %arg2[%dma_wait3A_382, %dma_wait3A_383] : memref<32768x512xf32, #tpu.memory_space<hbm>> -> memref<32768x512xf32, #tpu.memory_space<hbm>>
    tpu.wait_indirect_dma semaphore(%arg12 : memref<!tpu.dma_semaphore, #tpu.memory_space<semaphore_mem>>) src(%dma_wait3A_384 : memref<32768x512xf32, #tpu.memory_space<hbm>>) dst(%arg9 : memref<64x512xf32, #tpu.memory_space<vmem>>)
    %add3A_385 = arith.constant 960 : i32
    %add3A_386 = arith.addi %add3A, %add3A_385 : i32
    %dma_start3A_387 = arith.constant 0 : i32
    %dma_start3A_388 = tpu.memref_slice %arg4[%add3A_386, %dma_start3A_387] : memref<32768x512xf32, #tpu.memory_space<hbm>> -> memref<64x512xf32, #tpu.memory_space<hbm>>
    %dma_start3A_389 = arith.constant 0 : i32
    %dma_start3A_390 = tpu.memref_slice %arg4[%add3A_386, %dma_start3A_389] : memref<32768x512xf32, #tpu.memory_space<hbm>> -> memref<64x512xf32, #tpu.memory_space<hbm>>
    tpu.enqueue_dma source(%arg9 : memref<64x512xf32, #tpu.memory_space<vmem>>) target(%dma_start3A_390 : memref<64x512xf32, #tpu.memory_space<hbm>>) target_semaphore(%arg15 : memref<!tpu.dma_semaphore, #tpu.memory_space<semaphore_mem>>)
    %dma_wait3A_391 = arith.constant 0 : i32
    %dma_wait3A_392 = tpu.memref_slice %arg4[%add3A_360, %dma_wait3A_391] : memref<32768x512xf32, #tpu.memory_space<hbm>> -> memref<64x512xf32, #tpu.memory_space<hbm>>
    %dma_wait3A_393 = arith.constant 0 : i32
    %dma_wait3A_394 = tpu.memref_slice %arg4[%add3A_360, %dma_wait3A_393] : memref<32768x512xf32, #tpu.memory_space<hbm>> -> memref<64x512xf32, #tpu.memory_space<hbm>>
    tpu.wait_dma2 semaphore(%arg16 : memref<!tpu.dma_semaphore, #tpu.memory_space<semaphore_mem>>) src(%arg10 : memref<64x512xf32, #tpu.memory_space<vmem>>) dst(%dma_wait3A_394 : memref<64x512xf32, #tpu.memory_space<hbm>>)
    %dma_wait3A_395 = arith.constant 0 : i32
    %dma_wait3A_396 = tpu.memref_slice %arg4[%add3A_373, %dma_wait3A_395] : memref<32768x512xf32, #tpu.memory_space<hbm>> -> memref<64x512xf32, #tpu.memory_space<hbm>>
    %dma_wait3A_397 = arith.constant 0 : i32
    %dma_wait3A_398 = tpu.memref_slice %arg4[%add3A_373, %dma_wait3A_397] : memref<32768x512xf32, #tpu.memory_space<hbm>> -> memref<64x512xf32, #tpu.memory_space<hbm>>
    tpu.wait_dma2 semaphore(%arg17 : memref<!tpu.dma_semaphore, #tpu.memory_space<semaphore_mem>>) src(%arg11 : memref<64x512xf32, #tpu.memory_space<vmem>>) dst(%dma_wait3A_398 : memref<64x512xf32, #tpu.memory_space<hbm>>)
    %dma_wait3A_399 = arith.constant 0 : i32
    %dma_wait3A_400 = tpu.memref_slice %arg4[%add3A_386, %dma_wait3A_399] : memref<32768x512xf32, #tpu.memory_space<hbm>> -> memref<64x512xf32, #tpu.memory_space<hbm>>
    %dma_wait3A_401 = arith.constant 0 : i32
    %dma_wait3A_402 = tpu.memref_slice %arg4[%add3A_386, %dma_wait3A_401] : memref<32768x512xf32, #tpu.memory_space<hbm>> -> memref<64x512xf32, #tpu.memory_space<hbm>>
    tpu.wait_dma2 semaphore(%arg15 : memref<!tpu.dma_semaphore, #tpu.memory_space<semaphore_mem>>) src(%arg9 : memref<64x512xf32, #tpu.memory_space<vmem>>) dst(%dma_wait3A_402 : memref<64x512xf32, #tpu.memory_space<hbm>>)
    return
  }
}

</mosaic_0001>

<sc_bundles>
// kernel: kernel.3.cloned.1.call-start
scs
__scs_entry_jumppad:
0x0: {  	(pc) =	sbr.rel $0x88, $3  }
0x1: {  	(tag) =	ssettag $0x0;
	lr =	simm.s32 $0x1  }
0x2: {  	[smem:$0x3F9F] =	sst lr;
	_ =	strace $0xD0000000  }
0x3: {  	_ = 	snop  }
0x4: {  	_ = 	snop  }
0x5: {  	_ = 	snop  }
0x6: {  	_ = 	snop  }
0x7: {  	_ = 	snop  }
__scs_overlays_trampoline_lowered:
0x8: {  	[smem:$0x3FAE] =	sst s0  }
0x9: {  	[smem:$0x3FAF] =	sst s1  }
0xa: {  	[smem:$0x3FB0] =	sst s2  }
0xb: {  	[smem:$0x3FB1] =	sst s3  }
0xc: {  	[smem:$0x3FB2] =	sst s4  }
0xd: {  	[smem:$0x3FB3] =	sst s5  }
0xe: {  	[smem:$0x3FB4] =	sst s6  }
0xf: {  	[smem:$0x3FB5] =	sst s7  }
0x10: {  	[smem:$0x3FB6] =	sst s8  }
0x11: {  	[smem:$0x3FB7] =	sst s9;
	s0 =	simm.s32 @!p0 $0x0  }
0x12: {  	s1 =	sld [smem:$0x3F9D];
	s0 =	simm.s32 @p0 $0x1  }
0x13: {  	[smem:$0x3FB8] =	sst s0;
	s0 =	simm.s32 @!p1 $0x0  }
0x14: {  	s2 =	sld [smem:$0x3F9C];
	s0 =	simm.s32 @p1 $0x1  }
0x15: {  	[smem:$0x3FB9] =	sst s0;
	s0 =	simm.s32 @!p2 $0x0  }
0x16: {  	s3 =	sld [smem:$0x3FDB];
	s0 =	simm.s32 @p2 $0x1  }
0x17: {  	s4 =	simm.s32 $0x1BF5;
	[smem:$0x3FBB] =	sst s0  }
0x18: {  	s0 =	sld [smem:$0x3F9E];
	_ =	swait.ge [sflag:s4], $0x0  }
0x19: {  	s7 =	sld [smem:$0x3F9F]  }
0x1a: {  	s8 =	sadd.s32 $0xFFFFE003, lr  }
0x1b: {  	s9 =	sadd.s32 $0xFFFFFEF7, lr;
	s5 =	simm.s32 $0xFFFFFFFF;
	p2 =	slt.u32 s8, $0xFFFFF086  }
0x1c: {  	p1 =	slt.u32 s9, $0xF7A;
	s5 =	simm.s32 @!p2 $0x0  }
0x1d: {  	s5 =	simm.s32 @p1 $0x1;
	p0 =	seq.s32 s7, s2  }
0x1e: {  	s7 =	smul.u32 @!p0 $0xF7A, s2;
	p2 =	seq.s32 @!p0 s5, $0x0  }
0x1f: {  	s9 =	smul.u32 $0xF7A, s1;
	s8 =	simm.s32 @!p0 $0x1BF5;
	p2 =	por !p2, p0  }
0x20: {  	[sflag:s8] =	ssyncset.s32 @!p0 $0xFFFFF086;
	s6 =	sadd.s32 @!p0 s3, s7;
	s7 =	simm.s32 @!p0 $0x108  }
0x21: {  	s3 =	sadd.s32 s3, s9;
	s6 =	sadd.s32 @!p0 $0x88, s6;
	s7 =	simm.s32 @p2 $0x1082  }
0x22: {  	[simem:s7], [sflag:s8] =	dma.local @!p0 [hbm:s6], $0xF7A  }
0x23: {  	s9 =	sor.u32 $0xD0000000, s2;
	s6 =	simm.s32 $0x108;
	_ =	swait.ge @!p0 [sflag:s8], $0x0  }
0x24: {  	s3 =	sadd.s32 $0x88, s3;
	s6 =	simm.s32 @!p1 $0x1082;
	[sflag:s4] =	ssyncset.s32 $0xFFFFF086  }
0x25: {  	[simem:s6], [sflag:s4] =	dma.local [hbm:s3], $0xF7A  }
0x26: {  	[smem:$0x3F9F] =	sst s1;
	(tag) =	ssettag s2;
	_ =	strace s9  }
0x27: {  	s1 =	sld [smem:$0x3FAF]  }
0x28: {  	s2 =	sld [smem:$0x3FB0]  }
0x29: {  	s4 =	sld [smem:$0x3FB2]  }
0x2a: {  	p0 =	seq.s32 s5, $0x0;
	s5 =	sld [smem:$0x3FB3]  }
0x2b: {  	s6 =	sld [smem:$0x3FB4]  }
0x2c: {  	s7 =	sld [smem:$0x3FB5]  }
0x2d: {  	s3 =	simm.s32 $0x108;
	s8 =	sld [smem:$0x3FB6]  }
0x2e: {  	s3 =	simm.s32 @!p0 $0x1082;
	s9 =	sld [smem:$0x3FB7]  }
0x2f: {  	lr =	sadd.s32 s0, s3;
	s0 =	sld [smem:$0x3FAE]  }
0x30: {  	s3 =	sld [smem:$0x3FB1]  }
0x31: {  	[smem:$0x3FBA] =	sst s10  }
0x32: {  	s10 =	sld [smem:$0x3FB8];
	_ =	sdelay $0x3  }
0x33: {  	p0 =	seq.s32 s10, $0x1;
	s10 =	sld [smem:$0x3FBA];
	_ =	sdelay $0x3  }
0x34: {  	[smem:$0x3FBA] =	sst s10  }
0x35: {  	s10 =	sld [smem:$0x3FB9];
	_ =	sdelay $0x3  }
0x36: {  	p1 =	seq.s32 s10, $0x1;
	s10 =	sld [smem:$0x3FBA];
	_ =	sdelay $0x3  }
0x37: {  	[smem:$0x3FBA] =	sst s10  }
0x38: {  	s10 =	sld [smem:$0x3FBB]  }
0x39: {  	_ = 	snop;
	(pc) =	sbr.ind lr, $3  }
0x3a: {  	_ = 	snop  }
0x3b: {  	_ = 	snop  }
0x3c: {  	p2 =	seq.s32 s10, $0x1;
	s10 =	sld [smem:$0x3FBA]  }
0x3d: {  	_ =	shalt  }
0x3e: {  	_ =	shalt  }
0x3f: {  	_ =	shalt  }
0x40: {  	_ =	shalt  }
0x41: {  	_ =	shalt  }
0x42: {  	_ =	shalt  }
0x43: {  	_ =	shalt  }
0x44: {  	_ =	shalt  }
0x45: {  	_ =	shalt  }
0x46: {  	_ =	shalt  }
0x47: {  	_ =	shalt  }
0x48: {  	_ =	shalt  }
0x49: {  	_ =	shalt  }
0x4a: {  	_ =	shalt  }
0x4b: {  	_ =	shalt  }
0x4c: {  	_ =	shalt  }
0x4d: {  	_ =	shalt  }
0x4e: {  	_ =	shalt  }
0x4f: {  	_ =	shalt  }
0x50: {  	_ =	shalt  }
0x51: {  	_ =	shalt  }
0x52: {  	_ =	shalt  }
0x53: {  	_ =	shalt  }
0x54: {  	_ =	shalt  }
0x55: {  	_ =	shalt  }
0x56: {  	_ =	shalt  }
0x57: {  	_ =	shalt  }
0x58: {  	_ =	shalt  }
0x59: {  	_ =	shalt  }
0x5a: {  	_ =	shalt  }
0x5b: {  	_ =	shalt  }
0x5c: {  	_ =	shalt  }
0x5d: {  	_ =	shalt  }
0x5e: {  	_ =	shalt  }
0x5f: {  	_ =	shalt  }
0x60: {  	_ =	shalt  }
0x61: {  	_ =	shalt  }
0x62: {  	_ =	shalt  }
0x63: {  	_ =	shalt  }
0x64: {  	_ =	shalt  }
0x65: {  	_ =	shalt  }
0x66: {  	_ =	shalt  }
0x67: {  	_ =	shalt  }
0x68: {  	_ =	shalt  }
0x69: {  	_ =	shalt  }
0x6a: {  	_ =	shalt  }
0x6b: {  	_ =	shalt  }
0x6c: {  	_ =	shalt  }
0x6d: {  	_ =	shalt  }
0x6e: {  	_ =	shalt  }
0x6f: {  	_ =	shalt  }
0x70: {  	_ =	shalt  }
0x71: {  	_ =	shalt  }
0x72: {  	_ =	shalt  }
0x73: {  	_ =	shalt  }
0x74: {  	_ =	shalt  }
0x75: {  	_ =	shalt  }
0x76: {  	_ =	shalt  }
0x77: {  	_ =	shalt  }
0x78: {  	_ =	shalt  }
0x79: {  	_ =	shalt  }
0x7a: {  	_ =	shalt  }
0x7b: {  	_ =	shalt  }
0x7c: {  	_ =	shalt  }
0x7d: {  	_ =	shalt  }
0x7e: {  	_ =	shalt  }
0x7f: {  	_ =	shalt  }
0x80: {  	_ =	shalt  }
0x81: {  	_ =	shalt  }
0x82: {  	_ =	shalt  }
0x83: {  	_ =	shalt  }
0x84: {  	_ =	shalt  }
0x85: {  	_ =	shalt  }
0x86: {  	_ =	shalt  }
0x87: {  	_ =	shalt  }
.Lfunc_end0:
.L_simem_size_0:
called_computation_lowered:
.L_overlay_start_0:
0x88: {  	s2 =	sld [smem:$0x3FD9]  }
0x89: {  	s3 =	sld [smem:$0x3FFE];
	_ =	sdelay $0x1  }
0x8a: {  	s1 =	srdreg.scid  }
0x8b: {  	s0 =	sand.u32 $0x1, s1  }
0x8c: {  	s18 =	sshll.u32 s0, $0xA;
	s2 =	sadd.s32 s3, s2  }
0x8d: {  	s2 =	sadd.s32 s2, s18  }
0x8e: {  	[smem:$0x3FC6] =	sst s2  }
0x8f: {  	_ = 	snop  }
0x90: {  	s2 =	sld [smem:$0x3FC9]  }
0x91: {  	s19 =	sld [smem:$0x3FC8]  }
0x92: {  	s4 =	sld [smem:$0x3FD0];
	(tm) =	ssettm $0x1  }
0x93: {  	s5 =	sld [smem:$0x3FFB];
	_ =	sdelay $0x3  }
0x94: {  	_ =	strace s5  }
0x95: {  	s5 =	sld [smem:$0x3FFC];
	_ =	sdelay $0x3  }
0x96: {  	_ =	strace s5  }
0x97: {  	s5 =	sld [smem:$0x3FFD];
	_ =	sdelay $0x3  }
0x98: {  	_ =	strace s5  }
0x99: {  	_ =	strace $0x8FFFFFFF  }
0x9a: {  	s20 =	sld [smem:$0x3FDB];
	_ =	sdelay $0x1  }
0x9b: {  	s6 =	simm.s32 $_scs_section_size  }
0x9c: {  	s7 =	simm.s32 $_size__tile_overlayer_lowered;
	s8 =	simm.s32 $_tile_overlayer_lowered  }
0x9d: {  	s23 =	simm.s32 $0x1BFF;
	s22 =	sshll.u32 s8, $0x1;
	s5 =	sadd.s32 s6, s20  }
0x9e: {  	s9 =	simm.s32 $0x0;
	s21 =	sshll.u32 s7, $0x1;
	s7 =	sadd.s32 s22, s5  }
0x9f: {  	[timem:s9], [sflag:s23] =	dma.local [hbm:s7], s21  }
0xa0: {  	_ =	swait.ge [sflag:s23], s21  }
0xa1: {  	s6 =	ssub.s32 $0x0, s21;
	[sflag:s23] =	ssyncset.done $0x0  }
0xa2: {  	[sflag:s23] =	ssyncadd.s32 s6;
	_ =	sdelay $0x1  }
0xa3: {  	s24 =	simm.s32 $0x1B8B  }
0xa4: {  	_ =	swait.ge [sflag:s24], $0x1  }
0xa5: {  	[sflag:s24] =	ssyncset.done $0x0  }
0xa6: {  	s25 =	simm.s32 $0x1B8E;
	[sflag:s24] =	ssyncadd.s32 $0xFFFFFFFF  }
0xa7: {  	s26 =	simm.s32 $execute0_lowered;
	[smem:$0x3FD2] =	sst s25  }
0xa8: {  	s6 =	sshll.u32 s26, $0x1;
	_ =	strace $0x80000046;
	[dreg:$0x1] =	wrdreg $0xFFFFFFFF  }
0xa9: {  	s28 =	simm.s32 $_size_execute0_lowered;
	s5 =	sadd.s32 s5, s6;
	[dreg:$0x0] =	wrdreg $0x0  }
0xaa: {  	s6 =	sshll.u32 s28, $0x1;
	[dreg:$0x2] =	wrdreg s5  }
0xab: {  	[dreg:$0x3] =	wrdreg s6  }
0xac: {  	[dreg:$0x4] =	wrdreg $0xC0  }
0xad: {  	_ =	task [dreg:s9], $0x5FFFF  }
0xae: {  	[dreg:$0x1] =	wrdreg $0xFFFFFFFF  }
0xaf: {  	[dreg:$0x0] =	wrdreg $0x60  }
0xb0: {  	[dreg:$0x2] =	wrdreg s2  }
0xb1: {  	[dreg:$0x3] =	wrdreg s19  }
0xb2: {  	[dreg:$0x4] =	wrdreg s4  }
0xb3: {  	[dreg:$0x5] =	wrdreg $0x9  }
0xb4: {  	_ =	task.clear_ibuf [dreg:s9], $0x6FFFF;
	_ =	strace $0x90000046  }
0xb5: {  	s29 =	simm.s32 $0x9;
	_ =	strace $0x80000048  }
0xb6: {  	_ =	swait.ge [sflag:s29], $0x1  }
0xb7: {  	[sflag:s29] =	ssyncadd.s32 $0xFFFFFFFF  }
0xb8: {  	_ =	strace $0x90000048  }
0xb9: {  	_ =	sfence  }
0xba: {  	s30 =	sld [smem:$0x0];
	_ =	sdelay $0x2  }
0xbb: {  	s31 =	sshll.u32 s1, $0xD;
	s1 =	sshrl.u32 s1, $0x2  }
0xbc: {  	s3 =	sand.u32 $0x4000, s31;
	s1 =	sadd.s32 s1, s30  }
0xbd: {  	s0 =	sor.u32 s3, s0;
	s1 =	sshll.u32 s1, $0x11  }
0xbe: {  	s0 =	sor.u32 s1, s0  }
0xbf: {  	s0 =	sadd.s32 $0x8F2B, s0  }
0xc0: {  	[sflag:s0] =	ssyncadd.remote.s32 $0x1  }
0xc1: {  	_ =	sfence.sel $0xFFFF  }
0xc2: {  	[dreg:$0x0] =	wrdreg $0xFFFFFFFF;
	(pc) =	sbr.abs _section_cstart, $3  }
0xc3: {  	[dreg:$0x1] =	wrdreg $0xFFFFFFFF  }
0xc4: {  	_ =	task.clear_ibuf [dreg:s9], $0x2FFFF;
	_ =	strace $0x9FFFFFFF  }
0xc5: {  	(tm) =	ssettm $0x7FFFFFFF  }
tec
execute0_lowered:
.L_overlay_start_1:
0x0: {  	(tag) =	ssettag $0x1  }
0x1: {  	s1 =	rddreg [dreg:$0x0]  }
0x2: {  	s0 =	rddreg [dreg:$0x1]  }
0x3: {  	s2 =	rddreg [dreg:$0x2];
	s3 =	simm.s32 $0x0;
	s10 =	stileid.u32  }
0x4: {  	s4 =	srdreg.scid;
	s6 =	sshll.u32 s10, $0xB;
	s5 =	sshll.u32 s10, $0x7  }
0x5: {  	s4 =	sand.u32 $0x1, s4;
	[smem:$0x7FF] =	sst s3;
	s5 =	sor.u32 s5, s6  }
0x6: {  	s10 =	sshll.u32 s10, $0x11;
	s7 =	ssub.s32 $0x2, s4;
	s5 =	sand.u32 $0x4380, s5  }
0x7: {  	_ =	strace $0x80000047;
	s8 =	sshrl.u32 s7, $0x1;
	s5 =	sshrl.u32 s5, $0x3  }
0x8: {  	s9 =	sshll.u32 s4, $0x10;
	s7 =	ssub.s32 s7, s8;
	s0 =	sadd.s32 s0, s5  }
0x9: {  	s16 =	sor.u32 s10, s9;
	s31 =	smax.u32 s7, $0x1;
	[dreg:$0x4] =	wrdreg s0  }
0xa: {  	s0 =	sadd.s32 s2, s16;
	[dreg:$0x15] =	wrdreg s31  }
0xb: {  	s2 =	sadd.s32 $0x1000, s0;
	[dreg:$0x5] =	wrdreg s0  }
0xc: {  	s17 =	sadd.s32 $0x2000, s0;
	[dreg:$0x6] =	wrdreg s2  }
0xd: {  	s18 =	sadd.s32 $0x3000, s0;
	[dreg:$0x7] =	wrdreg s17  }
0xe: {  	s19 =	sadd.s32 $0x4000, s0;
	[dreg:$0x8] =	wrdreg s18  }
0xf: {  	s20 =	sadd.s32 $0x5000, s0;
	[dreg:$0x9] =	wrdreg s19  }
0x10: {  	s21 =	sadd.s32 $0x6000, s0;
	[dreg:$0xa] =	wrdreg s20  }
0x11: {  	s22 =	sadd.s32 $0x7000, s0;
	[dreg:$0xb] =	wrdreg s21  }
0x12: {  	s23 =	sadd.s32 $0x8000, s0;
	[dreg:$0xc] =	wrdreg s22  }
0x13: {  	s24 =	sadd.s32 $0x9000, s0;
	[dreg:$0xd] =	wrdreg s23  }
0x14: {  	s25 =	sadd.s32 $0xA000, s0;
	[dreg:$0xe] =	wrdreg s24  }
0x15: {  	s26 =	sadd.s32 $0xB000, s0;
	[dreg:$0xf] =	wrdreg s25  }
0x16: {  	v0 =	vlaneseq.u32;
	s15 =	sshll.u32 s4, $0xA;
	s28 =	sadd.s32 $0xC000, s0;
	[dreg:$0x10] =	wrdreg s26  }
0x17: {  	v2 =	vor.u32 s6, v0;
	s6 =	simm.s32 $0x6;
	s29 =	sadd.s32 $0xD000, s0;
	[dreg:$0x11] =	wrdreg s28  }
0x18: {  	s4 =	simm.s32 $0x0;
	s30 =	sadd.s32 $0xE000, s0;
	[dreg:$0x12] =	wrdreg s29  }
0x19: {  	s5 =	sadd.s32 $0x100, s1;
	s0 =	sadd.s32 $0xF000, s0;
	[dreg:$0x13] =	wrdreg s30  }
0x1a: {  	v3 =	vimm.s32 $0x0;
	[dreg:$0x14] =	wrdreg s0;
	s26 =	simm.s32 $0x1000;
	s17 =	simm.s32 $0x1  }
0x1b: {  	vm0 =	vmmov $0xffff;
	v4 =	vand.u32 $0x7, v0;
	v5 =	vshrl.u32 v0, $0x3;
	s18 =	simm.s32 $0x4;
	s19 =	simm.s32 $0x2;
	s21 =	simm.s32 $0x5  }
0x1c: {  	v6 =	vor.u32 $0x8, v0;
	v5 =	vmul.u32 $0x8, v5;
	v1 =	vmov s15;
	s22 =	simm.s32 $0x3;
	s25 =	simm.s32 $0x1800;
	s20 =	simm.s32 $0x9800  }
.LBB2_1:
0x1d: {  	s0 =	rddreg [dreg:$0x4]  }
0x1e: {  	s2 =	simm.s32 $0x80;
	s15 =	simm.s32 $0x400;
	s31 =	simm.s32 $0x7  }
0x1f: {  	[tilespmem:s3], [sflag:$0x7] =	stream.strided.gather [hbm4b:s0+s2], $0x800, s15, s2, $0x38;
	[tilespmem:$0x19800] =	vst v63  }
0x20: {  	_ =	swait.ge [sflag:s31], $0x800  }
0x21: {  	p2 =	por $0x0, $0x0;
	[sflag:s31] =	ssyncset.done $0x0  }
.Ltmp0:
0x22: {  	s15 =	simm.s32 $0x0;
	[sflag:s31] =	ssyncadd.s32 $0xFFFFF800;
	(pc) =	sbr.rel @p2 .LBB2_2-.Ltmp0, $4  }
0x23: {  	v7 =	vld [tilespmem:s15+$0x30]  }
0x24: {  	v8 =	vld [tilespmem:s15+$0x0]  }
0x25: {  	v10 =	vld [tilespmem:s15+$0x10]  }
0x26: {  	p0 =	por $0x0, $0x0;
	p1 =	por $0x0, $0x0;
	v9 =	vld [tilespmem:s15+$0x20]  }
0x27: {  	_ = 	snop  }
0x28: {  	p2 =	por $0x0, $0x0;
	vm1 =	vne.s32 v7, $0x0  }
.Ltmp1:
0x29: {  	s16 =	simm.s32 $0x40;
	vm2 =	vne.s32 v8, $0x0;
	v8 =	vsel vm1, $0x1, v3;
	(pc) =	sbr.rel @p2 .LBB2_4-.Ltmp1, $4  }
0x2a: {  	v7 =	vld [tilespmem:s16+$0x30];
	v11 =	vsel vm2, $0x1, v3;
	vm1 =	vne.s32 v10, $0x0;
	(xrf0) =	vadd.scan.msk.s32 $0xffff, v8  }
0x2b: {  	v8 =	vld [tilespmem:s16+$0x0];
	v12 =	vsel vm1, $0x1, v3;
	vm1 =	vne.s32 v9, $0x0;
	(xrf0) =	vadd.scan.msk.s32 $0xffff, v11  }
0x2c: {  	v10 =	vld [tilespmem:s16+$0x10];
	v11 =	vsel vm1, $0x1, v3;
	(xrf0) =	vadd.scan.msk.s32 $0xffff, v12  }
0x2d: {  	p0 =	por $0x1, $0x1;
	v9 =	vld [tilespmem:s16+$0x20];
	(xrf0) =	vadd.scan.msk.s32 $0xffff, v11  }
0x2e: {  	_ = 	snop  }
0x2f: {  	vm1 =	vne.s32 v7, $0x0  }
0x30: {  	vm2 =	vne.s32 v8, $0x0;
	v11 =	vsel vm1, $0x1, v3  }
0x31: {  	s29 =	simm.s32 $0x80;
	p2 =	por $0x0, $0x0;
	v12, _, _ =	vpop (xrf0);
	(xrf0) =	vadd.scan.msk.s32 $0xffff, v11;
	v11 =	vsel vm2, $0x1, v3  }
.Ltmp2:
0x32: {  	v7 =	vld [tilespmem:s29+$0x30];
	(pc) =	sbr.rel @p2 .LBB2_6-.Ltmp2, $4  }
0x33: {  	v8 =	vld [tilespmem:s29+$0x0];
	vm3 =	vne.s32 v10, $0x0  }
0x34: {  	v10 =	vld [tilespmem:s29+$0x10];
	[tilespmem:s15+$0x830] =	vst v12;
	vm1 =	vne.s32 v9, $0x0;
	v63 =	vsel vm3, $0x1, v3;
	(xrf0) =	vadd.scan.msk.s32 $0xffff, v11;
	v11, _, _ =	vpop (xrf0)  }
0x35: {  	v9 =	vld [tilespmem:s29+$0x20];
	v13 =	vsel vm1, $0x1, v3;
	(xrf0) =	vadd.scan.msk.s32 $0xffff, v63;
	[tilespmem:s15+$0x800] =	vst v11;
	v11, _, _ =	vpop (xrf0)  }
0x36: {  	s30 =	simm.s32 $0x300;
	p1 =	por $0x1, $0x1;
	(xrf0) =	vadd.scan.msk.s32 $0xffff, v13;
	[tilespmem:s15+$0x810] =	vst v11;
	v11, _, _ =	vpop (xrf0)  }
.LBB2_7:
0x37: {  	s31 =	sshra.s32 s30, $0x2;
	p2 =	seq.s32 s30, $0x1F00;
	s30 =	sadd.s32 $0x100, s30;
	vm1 =	vne.s32 v7, $0x0;
	[tilespmem:s15+$0x820] =	vst v11  }
.Ltmp3:
0x38: {  	s15 =	smov.u32 s16;
	s16 =	smov.u32 s29;
	v7 =	vld [tilespmem:s31+$0x30];
	vm2 =	vne.s32 v8, $0x0;
	v13 =	vsel vm1, $0x1, v3;
	(pc) =	sbr.rel @!p2 .LBB2_7-.Ltmp3, $4  }
0x39: {  	s29 =	smov.u32 s31;
	v8 =	vld [tilespmem:s31+$0x0];
	v12 =	vsel vm2, $0x1, v3;
	vm1 =	vne.s32 v10, $0x0;
	(xrf0) =	vadd.scan.msk.s32 $0xffff, v13;
	v11, _, _ =	vpop (xrf0)  }
0x3a: {  	v10 =	vld [tilespmem:s29+$0x10];
	v13 =	vsel vm1, $0x1, v3;
	vm1 =	vne.s32 v9, $0x0;
	(xrf0) =	vadd.scan.msk.s32 $0xffff, v12;
	[tilespmem:s15+$0x830] =	vst v11;
	v11, _, _ =	vpop (xrf0)  }
0x3b: {  	v9 =	vld [tilespmem:s29+$0x20];
	v12 =	vsel vm1, $0x1, v3;
	(xrf0) =	vadd.scan.msk.s32 $0xffff, v13;
	[tilespmem:s15+$0x800] =	vst v11;
	v11, _, _ =	vpop (xrf0)  }
0x3c: {  	(xrf0) =	vadd.scan.msk.s32 $0xffff, v12;
	[tilespmem:s15+$0x810] =	vst v11;
	v11, _, _ =	vpop (xrf0)  }
0x3d: {  	s30 =	smov.u32 s15;
	s15 =	smov.u32 s29  }
.LBB2_9:
0x3e: {  	vm1 =	vne.s32 v7, $0x0  }
0x3f: {  	vm2 =	vne.s32 v8, $0x0;
	v7 =	vsel vm1, $0x1, v3  }
0x40: {  	v8 =	vsel vm2, $0x1, v3;
	_ =	sdelay $0x1  }
0x41: {  	(xrf0) =	vadd.scan.msk.s32 $0xffff, v7;
	v7, _, _ =	vpop @p0 (xrf0)  }
0x42: {  	[tilespmem:s30+$0x820] =	vst @p1 v11;
	vm1 =	vne.s32 v10, $0x0;
	(xrf0) =	vadd.scan.msk.s32 $0xffff, v8;
	v8, _, _ =	vpop @p0 (xrf0)  }
0x43: {  	v10 =	vsel vm1, $0x1, v3;
	vm1 =	vne.s32 v9, $0x0;
	[tilespmem:s16+$0x830] =	vst @p0 v7;
	v7, _, _ =	vpop @p0 (xrf0)  }
0x44: {  	v9 =	vsel vm1, $0x1, v3;
	(xrf0) =	vadd.scan.msk.s32 $0xffff, v10;
	[tilespmem:s16+$0x800] =	vst @p0 v8;
	v8, _, _ =	vpop @p0 (xrf0)  }
0x45: {  	(xrf0) =	vadd.scan.msk.s32 $0xffff, v9;
	[tilespmem:s16+$0x810] =	vst @p0 v7;
	v7 =	vpsel p0, v8, v0;
	_ =	sdelay $0x1  }
0x46: {  	s16 =	smov.u32 @p0 s16  }
0x47: {  	[tilespmem:s16+$0x820] =	vst @p0 v7;
	v7, _, _ =	vpop (xrf0)  }
0x48: {  	[tilespmem:s15+$0x830] =	vst v7;
	v7, _, _ =	vpop (xrf0)  }
0x49: {  	[tilespmem:s15+$0x800] =	vst v7;
	v7, _, _ =	vpop (xrf0)  }
0x4a: {  	[tilespmem:s15+$0x810] =	vst v7;
	v7, _, _ =	vpop (xrf0)  }
0x4b: {  	s23 =	simm.s32 $0x800;
	[tilespmem:s15+$0x820] =	vst v7  }
0x4c: {  	v7 =	vld [tilespmem:s23+$0x0]  }
0x4d: {  	s24 =	simm.s32 $0x810  }
0x4e: {  	s28 =	simm.s32 $0x820;
	v8 =	vld [tilespmem:s24+$0x0]  }
0x4f: {  	v63 =	vld [tilespmem:s28+$0x0];
	_ =	sdelay $0x1  }
0x50: {  	(v2sf) =	vpush v7, $0xF;
	_ =	sdelay $0x1  }
0x51: {  	(v2sf) =	vpush v8, $0xF  }
0x52: {  	(v2sf) =	vpush v63, $0xF;
	_ =	sdelay $0x6  }
0x53: {  	s29 =	simm.s32 $0x4  }
0x54: {  	s31 =	simm.s32 $0x0;
	s30 =	simm.s32 $0xC;
	s15 =	simm.s32 $0x0  }
0x55: {  	s16 =	simm.s32 $0x8;
	[smem:s31] =	sst s15;
	s31 =	simm.s32 $0x830  }
.LBB2_10:
0x56: {  	v7 =	vld [tilespmem:s31+$0x0];
	p0 =	seq.s32 s30, $0x1FC;
	s0 =	smov.u32 s30;
	s30 =	sadd.s32 $0x4, s30  }
.Ltmp4:
0x57: {  	(pc) =	sbr.rel @!p0 .LBB2_10-.Ltmp4, $4  }
0x58: {  	s2 =	spop (v2sf)  }
0x59: {  	s23 =	sshra.s32 s29, $0x2;
	s29 =	smov.u32 s16;
	s15 =	sadd.s32 s15, s2  }
0x5a: {  	s16 =	smov.u32 s0;
	[smem:s23] =	sst s15  }
0x5b: {  	s31 =	sadd.s32 $0x10, s31;
	(v2sf) =	vpush v7, $0xF  }
0x5c: {  	_ =	sdelay $0xb  }
0x5d: {  	s0 =	spop (v2sf);
	s2 =	sshra.s32 s29, $0x2  }
0x5e: {  	s24 =	sshra.s32 s16, $0x2;
	s0 =	sadd.s32 s15, s0;
	s23 =	spop (v2sf)  }
0x5f: {  	[smem:s2] =	sst s0;
	s0 =	sadd.s32 s0, s23;
	s28 =	spop (v2sf)  }
0x60: {  	s16 =	simm.s32 $0x20;
	s29 =	simm.s32 $0x820;
	s31 =	sadd.s32 s0, s28  }
0x61: {  	s30 =	simm.s32 $0x2;
	s15 =	simm.s32 $0x0;
	[smem:s24] =	sst s0;
	v7 =	vmov s31  }
.LBB2_12:
0x62: {  	v8 =	vld [tilespmem:s29+$0xFFFFFFE0];
	_ =	sdelay $0x1  }
0x63: {  	v9 =	vld [tilespmem:s16+$0xFFFFFFE0];
	s0 =	sld [smem:s30+$0xFFFFFFFE];
	_ =	sdelay $0x2  }
0x64: {  	v10 =	vadd.s32 s15, v7;
	v8 =	vadd.s32 s0, v8  }
0x65: {  	v10 =	vsub.s32 v10, v8  }
0x66: {  	vm1 =	veq.s32 v9, $0x0;
	v8 =	vadd.s32 $0xFFFFFFFF, v8;
	v49 =	vadd.s32 v0, v10  }
0x67: {  	v8 =	vsel vm1, v49, v8  }
0x68: {  	v8 =	vsub.s32 v8, v1  }
0x69: {  	vm1 =	vlt.u32 v8, $0x400  }
0x6a: {  	v8 =	vnsel vm1, $0x0, v8  }
0x6b: {  	v50 =	vshll.u32 v8, $0x1  }
0x6c: {  	v8 =	vand.u32 $0x3F, v8;
	v9 =	vand.u32 $0xFFFFFF80, v50  }
0x6d: {  	v8 =	vor.u32 v8, v9;
	_ =	sdelay $0x3  }
0x6e: {  	v51 =	vor.u32 s15, v2  }
0x6f: {  	[tilespmem:v8+s26+$0x0] =	vst.idx.msk vm1, v51  }
0x70: {  	v8 =	vld [tilespmem:s29+$0xFFFFFFF0];
	_ =	sdelay $0x1  }
0x71: {  	s14 =	sld [smem:s30+$0xFFFFFFFF];
	v9 =	vld [tilespmem:s16+$0xFFFFFFF0];
	_ =	sdelay $0x1  }
0x72: {  	s2 =	sadd.s32 $0x10, s15  }
0x73: {  	v52 =	vadd.s32 s2, v7;
	v8 =	vadd.s32 s14, v8  }
0x74: {  	v10 =	vsub.s32 v52, v8  }
0x75: {  	vm1 =	veq.s32 v9, $0x0;
	v8 =	vadd.s32 $0xFFFFFFFF, v8;
	v53 =	vadd.s32 v0, v10  }
0x76: {  	v8 =	vsel vm1, v53, v8  }
0x77: {  	v8 =	vsub.s32 v8, v1  }
0x78: {  	vm1 =	vlt.u32 v8, $0x400  }
0x79: {  	v8 =	vnsel vm1, $0x0, v8  }
0x7a: {  	v54 =	vshll.u32 v8, $0x1  }
0x7b: {  	v8 =	vand.u32 $0x3F, v8;
	v9 =	vand.u32 $0xFFFFFF80, v54  }
0x7c: {  	v8 =	vor.u32 v8, v9;
	_ =	sdelay $0x3  }
0x7d: {  	v55 =	vor.u32 s2, v2  }
0x7e: {  	[tilespmem:v8+s26+$0x0] =	vst.idx.msk vm1, v55  }
0x7f: {  	v8 =	vld [tilespmem:s29+$0x0];
	_ =	sdelay $0x1  }
0x80: {  	s23 =	sld [smem:s30+$0x0];
	v9 =	vld [tilespmem:s16+$0x0];
	_ =	sdelay $0x1  }
0x81: {  	s24 =	sadd.s32 $0x20, s15  }
0x82: {  	v56 =	vadd.s32 s24, v7;
	v8 =	vadd.s32 s23, v8  }
0x83: {  	v10 =	vsub.s32 v56, v8  }
0x84: {  	vm1 =	veq.s32 v9, $0x0;
	v8 =	vadd.s32 $0xFFFFFFFF, v8;
	v57 =	vadd.s32 v0, v10  }
0x85: {  	v8 =	vsel vm1, v57, v8  }
0x86: {  	v8 =	vsub.s32 v8, v1  }
0x87: {  	vm1 =	vlt.u32 v8, $0x400  }
0x88: {  	v8 =	vnsel vm1, $0x0, v8  }
0x89: {  	v58 =	vshll.u32 v8, $0x1  }
0x8a: {  	v8 =	vand.u32 $0x3F, v8;
	v9 =	vand.u32 $0xFFFFFF80, v58  }
0x8b: {  	v8 =	vor.u32 v8, v9;
	_ =	sdelay $0x3  }
0x8c: {  	v59 =	vor.u32 s24, v2  }
0x8d: {  	[tilespmem:v8+s26+$0x0] =	vst.idx.msk vm1, v59  }
0x8e: {  	v8 =	vld [tilespmem:s29+$0x10];
	_ =	sdelay $0x1  }
0x8f: {  	s28 =	sld [smem:s30+$0x1];
	v9 =	vld [tilespmem:s16+$0x10];
	_ =	sdelay $0x1  }
0x90: {  	s31 =	sadd.s32 $0x30, s15  }
0x91: {  	v60 =	vadd.s32 s31, v7;
	v8 =	vadd.s32 s28, v8  }
0x92: {  	v10 =	vsub.s32 v60, v8  }
0x93: {  	vm1 =	veq.s32 v9, $0x0;
	v8 =	vadd.s32 $0xFFFFFFFF, v8;
	v61 =	vadd.s32 v0, v10  }
0x94: {  	v8 =	vsel vm1, v61, v8  }
0x95: {  	v8 =	vsub.s32 v8, v1  }
0x96: {  	vm1 =	vlt.u32 v8, $0x400  }
0x97: {  	v8 =	vnsel vm1, $0x0, v8  }
0x98: {  	v62 =	vshll.u32 v8, $0x1  }
0x99: {  	v8 =	vand.u32 $0x3F, v8;
	v9 =	vand.u32 $0xFFFFFF80, v62  }
0x9a: {  	p0 =	sne.s32 s15, $0x7C0;
	v8 =	vor.u32 v8, v9  }
.Ltmp5:
0x9b: {  	_ = 	snop;
	(pc) =	sbr.rel @p0 .LBB2_12-.Ltmp5, $3  }
0x9c: {  	_ =	sdelay $0x1  }
0x9d: {  	s30 =	sadd.s32 $0x4, s30;
	v63 =	vor.u32 s31, v2  }
0x9e: {  	s15 =	sadd.s32 $0x40, s15;
	s16 =	sadd.s32 $0x40, s16;
	s29 =	sadd.s32 $0x40, s29;
	[tilespmem:v8+s26+$0x0] =	vst.idx.msk vm1, v63  }
0x9f: {  	v7 =	vld [tilespmem:$0x1000];
	_ =	sdelay $0x4  }
0xa0: {  	v8 =	vshll.u32 v7, $0x2  }
0xa1: {  	v7 =	vand.u32 $0x7, v7;
	v8 =	vand.u32 $0xFFFFFFE0, v8  }
0xa2: {  	v7 =	vor.u32 v7, v8  }
0xa3: {  	v8 =	vperm.xlane v7, v4;
	_ =	sdelay $0x1  }
0xa4: {  	v8 =	vadd.s32 v5, v8;
	_ =	sdelay $0x1  }
0xa5: {  	v7 =	vperm.xlane v7, v6;
	_ =	sdelay $0x1  }
0xa6: {  	v7 =	vadd.s32 v5, v7  }
0xa7: {  	[tilespmem:s25], [sflag:$0x1] =	stream.indirect_vreg.gather [hbm4b:s1+s3], $0x80, v8, vm0, $0xb8;
	[tilespmem:$0x19800] =	vst v63  }
0xa8: {  	s0 =	simm.s32 $0x2000  }
0xa9: {  	[tilespmem:s0], [sflag:$0x1] =	stream.indirect_vreg.gather [hbm4b:s5+s3], $0x80, v8, vm0, $0xb8;
	[tilespmem:$0x19800] =	vst v63  }
0xaa: {  	s2 =	simm.s32 $0x2800  }
0xab: {  	[tilespmem:s2], [sflag:$0x1] =	stream.indirect_vreg.gather [hbm4b:s1+s3], $0x80, v7, vm0, $0xb8;
	[tilespmem:$0x19800] =	vst v63  }
0xac: {  	s7 =	simm.s32 $0x3000  }
0xad: {  	[tilespmem:s7], [sflag:$0x1] =	stream.indirect_vreg.gather [hbm4b:s5+s3], $0x80, v7, vm0, $0xb8;
	[tilespmem:$0x19800] =	vst v63  }
0xae: {  	v7 =	vld [tilespmem:$0x1010];
	_ =	sdelay $0x4  }
0xaf: {  	v8 =	vshll.u32 v7, $0x2  }
0xb0: {  	v7 =	vand.u32 $0x7, v7;
	v8 =	vand.u32 $0xFFFFFFE0, v8  }
0xb1: {  	v7 =	vor.u32 v7, v8  }
0xb2: {  	v8 =	vperm.xlane v7, v4;
	_ =	sdelay $0x1  }
0xb3: {  	v8 =	vadd.s32 v5, v8;
	_ =	sdelay $0x1  }
0xb4: {  	v7 =	vperm.xlane v7, v6;
	_ =	sdelay $0x1  }
0xb5: {  	s8 =	simm.s32 $0x3800;
	v7 =	vadd.s32 v5, v7  }
0xb6: {  	[tilespmem:s8], [sflag:$0x1] =	stream.indirect_vreg.gather [hbm4b:s1+s3], $0x80, v8, vm0, $0xb8;
	[tilespmem:$0x19800] =	vst v63  }
0xb7: {  	s9 =	simm.s32 $0x4000  }
0xb8: {  	[tilespmem:s9], [sflag:$0x1] =	stream.indirect_vreg.gather [hbm4b:s5+s3], $0x80, v8, vm0, $0xb8;
	[tilespmem:$0x19800] =	vst v63  }
0xb9: {  	s10 =	simm.s32 $0x4800  }
0xba: {  	[tilespmem:s10], [sflag:$0x1] =	stream.indirect_vreg.gather [hbm4b:s1+s3], $0x80, v7, vm0, $0xb8;
	[tilespmem:$0x19800] =	vst v63  }
0xbb: {  	s11 =	simm.s32 $0x5000  }
0xbc: {  	[tilespmem:s11], [sflag:$0x1] =	stream.indirect_vreg.gather [hbm4b:s5+s3], $0x80, v7, vm0, $0xb8;
	[tilespmem:$0x19800] =	vst v63  }
0xbd: {  	v7 =	vld [tilespmem:$0x1020];
	_ =	sdelay $0x4  }
0xbe: {  	v8 =	vshll.u32 v7, $0x2  }
0xbf: {  	v7 =	vand.u32 $0x7, v7;
	v8 =	vand.u32 $0xFFFFFFE0, v8  }
0xc0: {  	v7 =	vor.u32 v7, v8  }
0xc1: {  	v8 =	vperm.xlane v7, v4;
	_ =	sdelay $0x1  }
0xc2: {  	v8 =	vadd.s32 v5, v8;
	_ =	sdelay $0x1  }
0xc3: {  	v7 =	vperm.xlane v7, v6;
	_ =	sdelay $0x1  }
0xc4: {  	s12 =	simm.s32 $0x5800;
	v7 =	vadd.s32 v5, v7  }
0xc5: {  	[tilespmem:s12], [sflag:$0x1] =	stream.indirect_vreg.gather [hbm4b:s1+s3], $0x80, v8, vm0, $0xb8;
	[tilespmem:$0x19800] =	vst v63  }
0xc6: {  	s13 =	simm.s32 $0x6000  }
0xc7: {  	[tilespmem:s13], [sflag:$0x1] =	stream.indirect_vreg.gather [hbm4b:s5+s3], $0x80, v8, vm0, $0xb8;
	[tilespmem:$0x19800] =	vst v63  }
0xc8: {  	s14 =	simm.s32 $0x6800  }
0xc9: {  	[tilespmem:s14], [sflag:$0x1] =	stream.indirect_vreg.gather [hbm4b:s1+s3], $0x80, v7, vm0, $0xb8;
	[tilespmem:$0x19800] =	vst v63  }
0xca: {  	s15 =	simm.s32 $0x7000  }
0xcb: {  	[tilespmem:s15], [sflag:$0x1] =	stream.indirect_vreg.gather [hbm4b:s5+s3], $0x80, v7, vm0, $0xb8;
	[tilespmem:$0x19800] =	vst v63  }
0xcc: {  	v7 =	vld [tilespmem:$0x1030];
	_ =	sdelay $0x4  }
0xcd: {  	v8 =	vshll.u32 v7, $0x2  }
0xce: {  	v7 =	vand.u32 $0x7, v7;
	v8 =	vand.u32 $0xFFFFFFE0, v8  }
0xcf: {  	v7 =	vor.u32 v7, v8  }
0xd0: {  	v8 =	vperm.xlane v7, v4;
	_ =	sdelay $0x1  }
0xd1: {  	v8 =	vadd.s32 v5, v8;
	_ =	sdelay $0x1  }
0xd2: {  	v7 =	vperm.xlane v7, v6;
	_ =	sdelay $0x1  }
0xd3: {  	s16 =	simm.s32 $0x7800;
	v7 =	vadd.s32 v5, v7  }
0xd4: {  	[tilespmem:s16], [sflag:$0x1] =	stream.indirect_vreg.gather [hbm4b:s1+s3], $0x80, v8, vm0, $0xb8;
	[tilespmem:$0x19800] =	vst v63  }
0xd5: {  	s31 =	simm.s32 $0x8000  }
0xd6: {  	[tilespmem:s31], [sflag:$0x1] =	stream.indirect_vreg.gather [hbm4b:s5+s3], $0x80, v8, vm0, $0xb8;
	[tilespmem:$0x19800] =	vst v63  }
0xd7: {  	s2 =	simm.s32 $0x8800  }
0xd8: {  	[tilespmem:s2], [sflag:$0x1] =	stream.indirect_vreg.gather [hbm4b:s1+s3], $0x80, v7, vm0, $0xb8;
	[tilespmem:$0x19800] =	vst v63  }
0xd9: {  	s8 =	simm.s32 $0x9000  }
0xda: {  	[tilespmem:s8], [sflag:$0x1] =	stream.indirect_vreg.gather [hbm4b:s5+s3], $0x80, v7, vm0, $0xb8;
	[tilespmem:$0x19800] =	vst v63  }
0xdb: {  	v7 =	vld [tilespmem:$0x1080];
	_ =	sdelay $0x4  }
0xdc: {  	v8 =	vshll.u32 v7, $0x2  }
0xdd: {  	v7 =	vand.u32 $0x7, v7;
	v8 =	vand.u32 $0xFFFFFFE0, v8  }
0xde: {  	v7 =	vor.u32 v7, v8  }
0xdf: {  	v8 =	vperm.xlane v7, v4;
	_ =	sdelay $0x1  }
0xe0: {  	v8 =	vadd.s32 v5, v8;
	_ =	sdelay $0x1  }
0xe1: {  	v7 =	vperm.xlane v7, v6;
	_ =	sdelay $0x1  }
0xe2: {  	v7 =	vadd.s32 v5, v7  }
0xe3: {  	[tilespmem:s20], [sflag:$0x2] =	stream.indirect_vreg.gather [hbm4b:s1+s3], $0x80, v8, vm0, $0xb8;
	[tilespmem:$0x19800] =	vst v63  }
0xe4: {  	s31 =	simm.s32 $0xA000  }
0xe5: {  	[tilespmem:s31], [sflag:$0x2] =	stream.indirect_vreg.gather [hbm4b:s5+s3], $0x80, v8, vm0, $0xb8;
	[tilespmem:$0x19800] =	vst v63  }
0xe6: {  	s2 =	simm.s32 $0xA800  }
0xe7: {  	[tilespmem:s2], [sflag:$0x2] =	stream.indirect_vreg.gather [hbm4b:s1+s3], $0x80, v7, vm0, $0xb8;
	[tilespmem:$0x19800] =	vst v63  }
0xe8: {  	s31 =	simm.s32 $0xB000  }
0xe9: {  	[tilespmem:s31], [sflag:$0x2] =	stream.indirect_vreg.gather [hbm4b:s5+s3], $0x80, v7, vm0, $0xb8;
	[tilespmem:$0x19800] =	vst v63  }
0xea: {  	v7 =	vld [tilespmem:$0x1090];
	_ =	sdelay $0x4  }
0xeb: {  	v8 =	vshll.u32 v7, $0x2  }
0xec: {  	v7 =	vand.u32 $0x7, v7;
	v8 =	vand.u32 $0xFFFFFFE0, v8  }
0xed: {  	v7 =	vor.u32 v7, v8  }
0xee: {  	v8 =	vperm.xlane v7, v4;
	_ =	sdelay $0x1  }
0xef: {  	v8 =	vadd.s32 v5, v8;
	_ =	sdelay $0x1  }
0xf0: {  	v7 =	vperm.xlane v7, v6;
	_ =	sdelay $0x1  }
0xf1: {  	s2 =	simm.s32 $0xB800;
	v7 =	vadd.s32 v5, v7  }
0xf2: {  	[tilespmem:s2], [sflag:$0x2] =	stream.indirect_vreg.gather [hbm4b:s1+s3], $0x80, v8, vm0, $0xb8;
	[tilespmem:$0x19800] =	vst v63  }
0xf3: {  	s2 =	simm.s32 $0xC000  }
0xf4: {  	[tilespmem:s2], [sflag:$0x2] =	stream.indirect_vreg.gather [hbm4b:s5+s3], $0x80, v8, vm0, $0xb8;
	[tilespmem:$0x19800] =	vst v63  }
0xf5: {  	s2 =	simm.s32 $0xC800  }
0xf6: {  	[tilespmem:s2], [sflag:$0x2] =	stream.indirect_vreg.gather [hbm4b:s1+s3], $0x80, v7, vm0, $0xb8;
	[tilespmem:$0x19800] =	vst v63  }
0xf7: {  	s2 =	simm.s32 $0xD000  }
0xf8: {  	[tilespmem:s2], [sflag:$0x2] =	stream.indirect_vreg.gather [hbm4b:s5+s3], $0x80, v7, vm0, $0xb8;
	[tilespmem:$0x19800] =	vst v63  }
0xf9: {  	v7 =	vld [tilespmem:$0x10A0];
	_ =	sdelay $0x4  }
0xfa: {  	v8 =	vshll.u32 v7, $0x2  }
0xfb: {  	v7 =	vand.u32 $0x7, v7;
	v8 =	vand.u32 $0xFFFFFFE0, v8  }
0xfc: {  	v7 =	vor.u32 v7, v8  }
0xfd: {  	v8 =	vperm.xlane v7, v4;
	_ =	sdelay $0x1  }
0xfe: {  	v8 =	vadd.s32 v5, v8;
	_ =	sdelay $0x1  }
0xff: {  	v7 =	vperm.xlane v7, v6;
	_ =	sdelay $0x1  }
0x100: {  	s2 =	simm.s32 $0xD800;
	v7 =	vadd.s32 v5, v7  }
0x101: {  	[tilespmem:s2], [sflag:$0x2] =	stream.indirect_vreg.gather [hbm4b:s1+s3], $0x80, v8, vm0, $0xb8;
	[tilespmem:$0x19800] =	vst v63  }
0x102: {  	s2 =	simm.s32 $0xE000  }
0x103: {  	[tilespmem:s2], [sflag:$0x2] =	stream.indirect_vreg.gather [hbm4b:s5+s3], $0x80, v8, vm0, $0xb8;
	[tilespmem:$0x19800] =	vst v63  }
0x104: {  	s2 =	simm.s32 $0xE800  }
0x105: {  	[tilespmem:s2], [sflag:$0x2] =	stream.indirect_vreg.gather [hbm4b:s1+s3], $0x80, v7, vm0, $0xb8;
	[tilespmem:$0x19800] =	vst v63  }
0x106: {  	s2 =	simm.s32 $0xF000  }
0x107: {  	[tilespmem:s2], [sflag:$0x2] =	stream.indirect_vreg.gather [hbm4b:s5+s3], $0x80, v7, vm0, $0xb8;
	[tilespmem:$0x19800] =	vst v63  }
0x108: {  	v7 =	vld [tilespmem:$0x10B0];
	_ =	sdelay $0x4  }
0x109: {  	v8 =	vshll.u32 v7, $0x2  }
0x10a: {  	v7 =	vand.u32 $0x7, v7;
	v8 =	vand.u32 $0xFFFFFFE0, v8  }
0x10b: {  	v7 =	vor.u32 v7, v8  }
0x10c: {  	v8 =	vperm.xlane v7, v4;
	_ =	sdelay $0x1  }
0x10d: {  	v8 =	vadd.s32 v5, v8;
	_ =	sdelay $0x1  }
0x10e: {  	v7 =	vperm.xlane v7, v6;
	_ =	sdelay $0x1  }
0x10f: {  	s2 =	simm.s32 $0xF800;
	v7 =	vadd.s32 v5, v7  }
0x110: {  	[tilespmem:s2], [sflag:$0x2] =	stream.indirect_vreg.gather [hbm4b:s1+s3], $0x80, v8, vm0, $0xb8;
	[tilespmem:$0x19800] =	vst v63  }
0x111: {  	s2 =	simm.s32 $0x10000  }
0x112: {  	[tilespmem:s2], [sflag:$0x2] =	stream.indirect_vreg.gather [hbm4b:s5+s3], $0x80, v8, vm0, $0xb8;
	[tilespmem:$0x19800] =	vst v63  }
0x113: {  	s2 =	simm.s32 $0x10800  }
0x114: {  	[tilespmem:s2], [sflag:$0x2] =	stream.indirect_vreg.gather [hbm4b:s1+s3], $0x80, v7, vm0, $0xb8;
	[tilespmem:$0x19800] =	vst v63  }
0x115: {  	s2 =	simm.s32 $0x11000  }
0x116: {  	[tilespmem:s2], [sflag:$0x2] =	stream.indirect_vreg.gather [hbm4b:s5+s3], $0x80, v7, vm0, $0xb8;
	[tilespmem:$0x19800] =	vst v63  }
0x117: {  	v7 =	vld [tilespmem:$0x1100];
	_ =	sdelay $0x4  }
0x118: {  	v8 =	vshll.u32 v7, $0x2  }
0x119: {  	v7 =	vand.u32 $0x7, v7;
	v8 =	vand.u32 $0xFFFFFFE0, v8  }
0x11a: {  	v7 =	vor.u32 v7, v8  }
0x11b: {  	v8 =	vperm.xlane v7, v4;
	_ =	sdelay $0x1  }
0x11c: {  	v8 =	vadd.s32 v5, v8;
	_ =	sdelay $0x1  }
0x11d: {  	v7 =	vperm.xlane v7, v6;
	_ =	sdelay $0x1  }
0x11e: {  	s2 =	simm.s32 $0x11800;
	v7 =	vadd.s32 v5, v7  }
0x11f: {  	[tilespmem:s2], [sflag:$0x3] =	stream.indirect_vreg.gather [hbm4b:s1+s3], $0x80, v8, vm0, $0xb8;
	[tilespmem:$0x19800] =	vst v63  }
0x120: {  	s0 =	simm.s32 $0x12000  }
0x121: {  	[tilespmem:s0], [sflag:$0x3] =	stream.indirect_vreg.gather [hbm4b:s5+s3], $0x80, v8, vm0, $0xb8;
	[tilespmem:$0x19800] =	vst v63  }
0x122: {  	s0 =	simm.s32 $0x12800  }
0x123: {  	[tilespmem:s0], [sflag:$0x3] =	stream.indirect_vreg.gather [hbm4b:s1+s3], $0x80, v7, vm0, $0xb8;
	[tilespmem:$0x19800] =	vst v63  }
0x124: {  	s0 =	simm.s32 $0x13000  }
0x125: {  	[tilespmem:s0], [sflag:$0x3] =	stream.indirect_vreg.gather [hbm4b:s5+s3], $0x80, v7, vm0, $0xb8;
	[tilespmem:$0x19800] =	vst v63  }
0x126: {  	v7 =	vld [tilespmem:$0x1110];
	_ =	sdelay $0x4  }
0x127: {  	v8 =	vshll.u32 v7, $0x2  }
0x128: {  	v7 =	vand.u32 $0x7, v7;
	v8 =	vand.u32 $0xFFFFFFE0, v8  }
0x129: {  	v7 =	vor.u32 v7, v8  }
0x12a: {  	v8 =	vperm.xlane v7, v4;
	_ =	sdelay $0x1  }
0x12b: {  	v8 =	vadd.s32 v5, v8;
	_ =	sdelay $0x1  }
0x12c: {  	v7 =	vperm.xlane v7, v6;
	_ =	sdelay $0x1  }
0x12d: {  	s0 =	simm.s32 $0x13800;
	v7 =	vadd.s32 v5, v7  }
0x12e: {  	[tilespmem:s0], [sflag:$0x3] =	stream.indirect_vreg.gather [hbm4b:s1+s3], $0x80, v8, vm0, $0xb8;
	[tilespmem:$0x19800] =	vst v63  }
0x12f: {  	s0 =	simm.s32 $0x14000  }
0x130: {  	[tilespmem:s0], [sflag:$0x3] =	stream.indirect_vreg.gather [hbm4b:s5+s3], $0x80, v8, vm0, $0xb8;
	[tilespmem:$0x19800] =	vst v63  }
0x131: {  	s0 =	simm.s32 $0x14800  }
0x132: {  	[tilespmem:s0], [sflag:$0x3] =	stream.indirect_vreg.gather [hbm4b:s1+s3], $0x80, v7, vm0, $0xb8;
	[tilespmem:$0x19800] =	vst v63  }
0x133: {  	s0 =	simm.s32 $0x15000  }
0x134: {  	[tilespmem:s0], [sflag:$0x3] =	stream.indirect_vreg.gather [hbm4b:s5+s3], $0x80, v7, vm0, $0xb8;
	[tilespmem:$0x19800] =	vst v63  }
0x135: {  	v7 =	vld [tilespmem:$0x1120];
	_ =	sdelay $0x4  }
0x136: {  	v8 =	vshll.u32 v7, $0x2  }
0x137: {  	v7 =	vand.u32 $0x7, v7;
	v8 =	vand.u32 $0xFFFFFFE0, v8  }
0x138: {  	v7 =	vor.u32 v7, v8  }
0x139: {  	v8 =	vperm.xlane v7, v4;
	_ =	sdelay $0x1  }
0x13a: {  	v8 =	vadd.s32 v5, v8;
	_ =	sdelay $0x1  }
0x13b: {  	v7 =	vperm.xlane v7, v6;
	_ =	sdelay $0x1  }
0x13c: {  	s0 =	simm.s32 $0x15800;
	v7 =	vadd.s32 v5, v7  }
0x13d: {  	[tilespmem:s0], [sflag:$0x3] =	stream.indirect_vreg.gather [hbm4b:s1+s3], $0x80, v8, vm0, $0xb8;
	[tilespmem:$0x19800] =	vst v63  }
0x13e: {  	s0 =	simm.s32 $0x16000  }
0x13f: {  	[tilespmem:s0], [sflag:$0x3] =	stream.indirect_vreg.gather [hbm4b:s5+s3], $0x80, v8, vm0, $0xb8;
	[tilespmem:$0x19800] =	vst v63  }
0x140: {  	s0 =	simm.s32 $0x16800  }
0x141: {  	[tilespmem:s0], [sflag:$0x3] =	stream.indirect_vreg.gather [hbm4b:s1+s3], $0x80, v7, vm0, $0xb8;
	[tilespmem:$0x19800] =	vst v63  }
0x142: {  	s0 =	simm.s32 $0x17000  }
0x143: {  	[tilespmem:s0], [sflag:$0x3] =	stream.indirect_vreg.gather [hbm4b:s5+s3], $0x80, v7, vm0, $0xb8;
	[tilespmem:$0x19800] =	vst v63  }
0x144: {  	v7 =	vld [tilespmem:$0x1130];
	_ =	sdelay $0x4  }
0x145: {  	v8 =	vshll.u32 v7, $0x2  }
0x146: {  	v7 =	vand.u32 $0x7, v7;
	v8 =	vand.u32 $0xFFFFFFE0, v8  }
0x147: {  	v7 =	vor.u32 v7, v8  }
0x148: {  	v8 =	vperm.xlane v7, v4;
	_ =	sdelay $0x1  }
0x149: {  	v8 =	vadd.s32 v5, v8;
	_ =	sdelay $0x1  }
0x14a: {  	v7 =	vperm.xlane v7, v6;
	_ =	sdelay $0x1  }
0x14b: {  	s0 =	simm.s32 $0x17800;
	v7 =	vadd.s32 v5, v7  }
0x14c: {  	[tilespmem:s0], [sflag:$0x3] =	stream.indirect_vreg.gather [hbm4b:s1+s3], $0x80, v8, vm0, $0xb8;
	[tilespmem:$0x19800] =	vst v63  }
0x14d: {  	s0 =	simm.s32 $0x18000  }
0x14e: {  	[tilespmem:s0], [sflag:$0x3] =	stream.indirect_vreg.gather [hbm4b:s5+s3], $0x80, v8, vm0, $0xb8;
	[tilespmem:$0x19800] =	vst v63  }
0x14f: {  	s0 =	simm.s32 $0x18800  }
0x150: {  	[tilespmem:s0], [sflag:$0x3] =	stream.indirect_vreg.gather [hbm4b:s1+s3], $0x80, v7, vm0, $0xb8;
	[tilespmem:$0x19800] =	vst v63  }
0x151: {  	s0 =	simm.s32 $0x19000  }
0x152: {  	[tilespmem:s0], [sflag:$0x3] =	stream.indirect_vreg.gather [hbm4b:s5+s3], $0x80, v7, vm0, $0xb8;
	[tilespmem:$0x19800] =	vst v63  }
0x153: {  	_ =	swait.ge [sflag:s17], $0x8000  }
0x154: {  	[sflag:s17] =	ssyncset.done $0x0  }
0x155: {  	s0 =	rddreg [dreg:$0x5];
	[sflag:s17] =	ssyncadd.s32 $0xFFFF8000  }
0x156: {  	[hbm4b:s0+s3] =	stream.linear.scatter [tilespmem:s25], [sflag:$0x4], $0x8000, $0x38;
	[tilespmem:$0x19800] =	vst v63  }
0x157: {  	_ =	swait.ge [sflag:s18], $0x8000  }
0x158: {  	[sflag:s18] =	ssyncset.done $0x0  }
0x159: {  	[sflag:s18] =	ssyncadd.s32 $0xFFFF8000  }
0x15a: {  	v7 =	vld [tilespmem:$0x1180];
	_ =	sdelay $0x4  }
0x15b: {  	v8 =	vshll.u32 v7, $0x2  }
0x15c: {  	v7 =	vand.u32 $0x7, v7;
	v8 =	vand.u32 $0xFFFFFFE0, v8  }
0x15d: {  	v7 =	vor.u32 v7, v8  }
0x15e: {  	v8 =	vperm.xlane v7, v4;
	_ =	sdelay $0x1  }
0x15f: {  	v8 =	vadd.s32 v5, v8;
	_ =	sdelay $0x1  }
0x160: {  	v7 =	vperm.xlane v7, v6;
	_ =	sdelay $0x1  }
0x161: {  	v7 =	vadd.s32 v5, v7  }
0x162: {  	[tilespmem:s25], [sflag:$0x1] =	stream.indirect_vreg.gather [hbm4b:s1+s3], $0x80, v8, vm0, $0xb8;
	[tilespmem:$0x19800] =	vst v63  }
0x163: {  	s23 =	simm.s32 $0x2000  }
0x164: {  	[tilespmem:s23], [sflag:$0x1] =	stream.indirect_vreg.gather [hbm4b:s5+s3], $0x80, v8, vm0, $0xb8;
	[tilespmem:$0x19800] =	vst v63  }
0x165: {  	s29 =	simm.s32 $0x2800  }
0x166: {  	[tilespmem:s29], [sflag:$0x1] =	stream.indirect_vreg.gather [hbm4b:s1+s3], $0x80, v7, vm0, $0xb8;
	[tilespmem:$0x19800] =	vst v63  }
0x167: {  	s28 =	simm.s32 $0x3000  }
0x168: {  	[tilespmem:s28], [sflag:$0x1] =	stream.indirect_vreg.gather [hbm4b:s5+s3], $0x80, v7, vm0, $0xb8;
	[tilespmem:$0x19800] =	vst v63  }
0x169: {  	v7 =	vld [tilespmem:$0x1190];
	_ =	sdelay $0x4  }
0x16a: {  	v8 =	vshll.u32 v7, $0x2  }
0x16b: {  	v7 =	vand.u32 $0x7, v7;
	v8 =	vand.u32 $0xFFFFFFE0, v8  }
0x16c: {  	v7 =	vor.u32 v7, v8  }
0x16d: {  	v8 =	vperm.xlane v7, v4;
	_ =	sdelay $0x1  }
0x16e: {  	v8 =	vadd.s32 v5, v8;
	_ =	sdelay $0x1  }
0x16f: {  	v7 =	vperm.xlane v7, v6;
	_ =	sdelay $0x1  }
0x170: {  	s30 =	simm.s32 $0x3800;
	v7 =	vadd.s32 v5, v7  }
0x171: {  	[tilespmem:s30], [sflag:$0x1] =	stream.indirect_vreg.gather [hbm4b:s1+s3], $0x80, v8, vm0, $0xb8;
	[tilespmem:$0x19800] =	vst v63  }
0x172: {  	s9 =	simm.s32 $0x4000  }
0x173: {  	[tilespmem:s9], [sflag:$0x1] =	stream.indirect_vreg.gather [hbm4b:s5+s3], $0x80, v8, vm0, $0xb8;
	[tilespmem:$0x19800] =	vst v63  }
0x174: {  	s10 =	simm.s32 $0x4800  }
0x175: {  	[tilespmem:s10], [sflag:$0x1] =	stream.indirect_vreg.gather [hbm4b:s1+s3], $0x80, v7, vm0, $0xb8;
	[tilespmem:$0x19800] =	vst v63  }
0x176: {  	s24 =	simm.s32 $0x5000  }
0x177: {  	[tilespmem:s24], [sflag:$0x1] =	stream.indirect_vreg.gather [hbm4b:s5+s3], $0x80, v7, vm0, $0xb8;
	[tilespmem:$0x19800] =	vst v63  }
0x178: {  	v7 =	vld [tilespmem:$0x11A0];
	_ =	sdelay $0x4  }
0x179: {  	v8 =	vshll.u32 v7, $0x2  }
0x17a: {  	v7 =	vand.u32 $0x7, v7;
	v8 =	vand.u32 $0xFFFFFFE0, v8  }
0x17b: {  	v7 =	vor.u32 v7, v8  }
0x17c: {  	v8 =	vperm.xlane v7, v4;
	_ =	sdelay $0x1  }
0x17d: {  	v8 =	vadd.s32 v5, v8;
	_ =	sdelay $0x1  }
0x17e: {  	v7 =	vperm.xlane v7, v6;
	_ =	sdelay $0x1  }
0x17f: {  	s11 =	simm.s32 $0x5800;
	v7 =	vadd.s32 v5, v7  }
0x180: {  	[tilespmem:s11], [sflag:$0x1] =	stream.indirect_vreg.gather [hbm4b:s1+s3], $0x80, v8, vm0, $0xb8;
	[tilespmem:$0x19800] =	vst v63  }
0x181: {  	s12 =	simm.s32 $0x6000  }
0x182: {  	[tilespmem:s12], [sflag:$0x1] =	stream.indirect_vreg.gather [hbm4b:s5+s3], $0x80, v8, vm0, $0xb8;
	[tilespmem:$0x19800] =	vst v63  }
0x183: {  	s13 =	simm.s32 $0x6800  }
0x184: {  	[tilespmem:s13], [sflag:$0x1] =	stream.indirect_vreg.gather [hbm4b:s1+s3], $0x80, v7, vm0, $0xb8;
	[tilespmem:$0x19800] =	vst v63  }
0x185: {  	s7 =	simm.s32 $0x7000  }
0x186: {  	[tilespmem:s7], [sflag:$0x1] =	stream.indirect_vreg.gather [hbm4b:s5+s3], $0x80, v7, vm0, $0xb8;
	[tilespmem:$0x19800] =	vst v63  }
0x187: {  	v7 =	vld [tilespmem:$0x11B0];
	_ =	sdelay $0x4  }
0x188: {  	v8 =	vshll.u32 v7, $0x2  }
0x189: {  	v7 =	vand.u32 $0x7, v7;
	v8 =	vand.u32 $0xFFFFFFE0, v8  }
0x18a: {  	v7 =	vor.u32 v7, v8  }
0x18b: {  	v8 =	vperm.xlane v7, v4;
	_ =	sdelay $0x1  }
0x18c: {  	v8 =	vadd.s32 v5, v8;
	_ =	sdelay $0x1  }
0x18d: {  	v7 =	vperm.xlane v7, v6;
	_ =	sdelay $0x1  }
0x18e: {  	s14 =	simm.s32 $0x7800;
	v7 =	vadd.s32 v5, v7  }
0x18f: {  	[tilespmem:s14], [sflag:$0x1] =	stream.indirect_vreg.gather [hbm4b:s1+s3], $0x80, v8, vm0, $0xb8;
	[tilespmem:$0x19800] =	vst v63  }
0x190: {  	s15 =	simm.s32 $0x8000  }
0x191: {  	[tilespmem:s15], [sflag:$0x1] =	stream.indirect_vreg.gather [hbm4b:s5+s3], $0x80, v8, vm0, $0xb8;
	[tilespmem:$0x19800] =	vst v63  }
0x192: {  	s16 =	simm.s32 $0x8800  }
0x193: {  	[tilespmem:s16], [sflag:$0x1] =	stream.indirect_vreg.gather [hbm4b:s1+s3], $0x80, v7, vm0, $0xb8;
	[tilespmem:$0x19800] =	vst v63  }
0x194: {  	s8 =	simm.s32 $0x9000  }
0x195: {  	[tilespmem:s8], [sflag:$0x1] =	stream.indirect_vreg.gather [hbm4b:s5+s3], $0x80, v7, vm0, $0xb8;
	[tilespmem:$0x19800] =	vst v63  }
0x196: {  	_ =	swait.ge [sflag:s19], $0x8000  }
0x197: {  	[sflag:s19] =	ssyncset.done $0x0  }
0x198: {  	s16 =	rddreg [dreg:$0x6];
	[sflag:s19] =	ssyncadd.s32 $0xFFFF8000  }
0x199: {  	[hbm4b:s16+s3] =	stream.linear.scatter [tilespmem:s20], [sflag:$0x5], $0x8000, $0x38;
	[tilespmem:$0x19800] =	vst v63  }
0x19a: {  	_ =	swait.ge [sflag:s21], $0x8000  }
0x19b: {  	[sflag:s21] =	ssyncset.done $0x0  }
0x19c: {  	[sflag:s21] =	ssyncadd.s32 $0xFFFF8000  }
0x19d: {  	v7 =	vld [tilespmem:$0x1200];
	_ =	sdelay $0x4  }
0x19e: {  	v8 =	vshll.u32 v7, $0x2  }
0x19f: {  	v7 =	vand.u32 $0x7, v7;
	v8 =	vand.u32 $0xFFFFFFE0, v8  }
0x1a0: {  	v7 =	vor.u32 v7, v8  }
0x1a1: {  	v8 =	vperm.xlane v7, v4;
	_ =	sdelay $0x1  }
0x1a2: {  	v8 =	vadd.s32 v5, v8;
	_ =	sdelay $0x1  }
0x1a3: {  	v7 =	vperm.xlane v7, v6;
	_ =	sdelay $0x1  }
0x1a4: {  	v7 =	vadd.s32 v5, v7  }
0x1a5: {  	[tilespmem:s20], [sflag:$0x2] =	stream.indirect_vreg.gather [hbm4b:s1+s3], $0x80, v8, vm0, $0xb8;
	[tilespmem:$0x19800] =	vst v63  }
0x1a6: {  	s16 =	simm.s32 $0xA000  }
0x1a7: {  	[tilespmem:s16], [sflag:$0x2] =	stream.indirect_vreg.gather [hbm4b:s5+s3], $0x80, v8, vm0, $0xb8;
	[tilespmem:$0x19800] =	vst v63  }
0x1a8: {  	s16 =	simm.s32 $0xA800  }
0x1a9: {  	[tilespmem:s16], [sflag:$0x2] =	stream.indirect_vreg.gather [hbm4b:s1+s3], $0x80, v7, vm0, $0xb8;
	[tilespmem:$0x19800] =	vst v63  }
0x1aa: {  	s31 =	simm.s32 $0xB000  }
0x1ab: {  	[tilespmem:s31], [sflag:$0x2] =	stream.indirect_vreg.gather [hbm4b:s5+s3], $0x80, v7, vm0, $0xb8;
	[tilespmem:$0x19800] =	vst v63  }
0x1ac: {  	v7 =	vld [tilespmem:$0x1210];
	_ =	sdelay $0x4  }
0x1ad: {  	v8 =	vshll.u32 v7, $0x2  }
0x1ae: {  	v7 =	vand.u32 $0x7, v7;
	v8 =	vand.u32 $0xFFFFFFE0, v8  }
0x1af: {  	v7 =	vor.u32 v7, v8  }
0x1b0: {  	v8 =	vperm.xlane v7, v4;
	_ =	sdelay $0x1  }
0x1b1: {  	v8 =	vadd.s32 v5, v8;
	_ =	sdelay $0x1  }
0x1b2: {  	v7 =	vperm.xlane v7, v6;
	_ =	sdelay $0x1  }
0x1b3: {  	s31 =	simm.s32 $0xB800;
	v7 =	vadd.s32 v5, v7  }
0x1b4: {  	[tilespmem:s31], [sflag:$0x2] =	stream.indirect_vreg.gather [hbm4b:s1+s3], $0x80, v8, vm0, $0xb8;
	[tilespmem:$0x19800] =	vst v63  }
0x1b5: {  	s16 =	simm.s32 $0xC000  }
0x1b6: {  	[tilespmem:s16], [sflag:$0x2] =	stream.indirect_vreg.gather [hbm4b:s5+s3], $0x80, v8, vm0, $0xb8;
	[tilespmem:$0x19800] =	vst v63  }
0x1b7: {  	s31 =	simm.s32 $0xC800  }
0x1b8: {  	[tilespmem:s31], [sflag:$0x2] =	stream.indirect_vreg.gather [hbm4b:s1+s3], $0x80, v7, vm0, $0xb8;
	[tilespmem:$0x19800] =	vst v63  }
0x1b9: {  	s16 =	simm.s32 $0xD000  }
0x1ba: {  	[tilespmem:s16], [sflag:$0x2] =	stream.indirect_vreg.gather [hbm4b:s5+s3], $0x80, v7, vm0, $0xb8;
	[tilespmem:$0x19800] =	vst v63  }
0x1bb: {  	v7 =	vld [tilespmem:$0x1220];
	_ =	sdelay $0x4  }
0x1bc: {  	v8 =	vshll.u32 v7, $0x2  }
0x1bd: {  	v7 =	vand.u32 $0x7, v7;
	v8 =	vand.u32 $0xFFFFFFE0, v8  }
0x1be: {  	v7 =	vor.u32 v7, v8  }
0x1bf: {  	v8 =	vperm.xlane v7, v4;
	_ =	sdelay $0x1  }
0x1c0: {  	v8 =	vadd.s32 v5, v8;
	_ =	sdelay $0x1  }
0x1c1: {  	v7 =	vperm.xlane v7, v6;
	_ =	sdelay $0x1  }
0x1c2: {  	s31 =	simm.s32 $0xD800;
	v7 =	vadd.s32 v5, v7  }
0x1c3: {  	[tilespmem:s31], [sflag:$0x2] =	stream.indirect_vreg.gather [hbm4b:s1+s3], $0x80, v8, vm0, $0xb8;
	[tilespmem:$0x19800] =	vst v63  }
0x1c4: {  	s16 =	simm.s32 $0xE000  }
0x1c5: {  	[tilespmem:s16], [sflag:$0x2] =	stream.indirect_vreg.gather [hbm4b:s5+s3], $0x80, v8, vm0, $0xb8;
	[tilespmem:$0x19800] =	vst v63  }
0x1c6: {  	s31 =	simm.s32 $0xE800  }
0x1c7: {  	[tilespmem:s31], [sflag:$0x2] =	stream.indirect_vreg.gather [hbm4b:s1+s3], $0x80, v7, vm0, $0xb8;
	[tilespmem:$0x19800] =	vst v63  }
0x1c8: {  	s16 =	simm.s32 $0xF000  }
0x1c9: {  	[tilespmem:s16], [sflag:$0x2] =	stream.indirect_vreg.gather [hbm4b:s5+s3], $0x80, v7, vm0, $0xb8;
	[tilespmem:$0x19800] =	vst v63  }
0x1ca: {  	v7 =	vld [tilespmem:$0x1230];
	_ =	sdelay $0x4  }
0x1cb: {  	v8 =	vshll.u32 v7, $0x2  }
0x1cc: {  	v7 =	vand.u32 $0x7, v7;
	v8 =	vand.u32 $0xFFFFFFE0, v8  }
0x1cd: {  	v7 =	vor.u32 v7, v8  }
0x1ce: {  	v8 =	vperm.xlane v7, v4;
	_ =	sdelay $0x1  }
0x1cf: {  	v8 =	vadd.s32 v5, v8;
	_ =	sdelay $0x1  }
0x1d0: {  	v7 =	vperm.xlane v7, v6;
	_ =	sdelay $0x1  }
0x1d1: {  	s31 =	simm.s32 $0xF800;
	v7 =	vadd.s32 v5, v7  }
0x1d2: {  	[tilespmem:s31], [sflag:$0x2] =	stream.indirect_vreg.gather [hbm4b:s1+s3], $0x80, v8, vm0, $0xb8;
	[tilespmem:$0x19800] =	vst v63  }
0x1d3: {  	s16 =	simm.s32 $0x10000  }
0x1d4: {  	[tilespmem:s16], [sflag:$0x2] =	stream.indirect_vreg.gather [hbm4b:s5+s3], $0x80, v8, vm0, $0xb8;
	[tilespmem:$0x19800] =	vst v63  }
0x1d5: {  	s31 =	simm.s32 $0x10800  }
0x1d6: {  	[tilespmem:s31], [sflag:$0x2] =	stream.indirect_vreg.gather [hbm4b:s1+s3], $0x80, v7, vm0, $0xb8;
	[tilespmem:$0x19800] =	vst v63  }
0x1d7: {  	s16 =	simm.s32 $0x11000  }
0x1d8: {  	[tilespmem:s16], [sflag:$0x2] =	stream.indirect_vreg.gather [hbm4b:s5+s3], $0x80, v7, vm0, $0xb8;
	[tilespmem:$0x19800] =	vst v63  }
0x1d9: {  	_ =	swait.ge [sflag:s22], $0x8000  }
0x1da: {  	[sflag:s22] =	ssyncset.done $0x0  }
0x1db: {  	s31 =	rddreg [dreg:$0x7];
	[sflag:s22] =	ssyncadd.s32 $0xFFFF8000  }
0x1dc: {  	[hbm4b:s31+s3] =	stream.linear.scatter [tilespmem:s2], [sflag:$0x6], $0x8000, $0x38;
	[tilespmem:$0x19800] =	vst v63  }
0x1dd: {  	_ =	swait.ge [sflag:s6], $0x8000  }
0x1de: {  	[sflag:s6] =	ssyncset.done $0x0  }
0x1df: {  	[sflag:s6] =	ssyncadd.s32 $0xFFFF8000  }
0x1e0: {  	v7 =	vld [tilespmem:$0x1280];
	_ =	sdelay $0x4  }
0x1e1: {  	v8 =	vshll.u32 v7, $0x2  }
0x1e2: {  	v7 =	vand.u32 $0x7, v7;
	v8 =	vand.u32 $0xFFFFFFE0, v8  }
0x1e3: {  	v7 =	vor.u32 v7, v8  }
0x1e4: {  	v8 =	vperm.xlane v7, v4;
	_ =	sdelay $0x1  }
0x1e5: {  	v8 =	vadd.s32 v5, v8;
	_ =	sdelay $0x1  }
0x1e6: {  	v7 =	vperm.xlane v7, v6;
	_ =	sdelay $0x1  }
0x1e7: {  	v7 =	vadd.s32 v5, v7  }
0x1e8: {  	[tilespmem:s2], [sflag:$0x3] =	stream.indirect_vreg.gather [hbm4b:s1+s3], $0x80, v8, vm0, $0xb8;
	[tilespmem:$0x19800] =	vst v63  }
0x1e9: {  	s16 =	simm.s32 $0x12000  }
0x1ea: {  	[tilespmem:s16], [sflag:$0x3] =	stream.indirect_vreg.gather [hbm4b:s5+s3], $0x80, v8, vm0, $0xb8;
	[tilespmem:$0x19800] =	vst v63  }
0x1eb: {  	s31 =	simm.s32 $0x12800  }
0x1ec: {  	[tilespmem:s31], [sflag:$0x3] =	stream.indirect_vreg.gather [hbm4b:s1+s3], $0x80, v7, vm0, $0xb8;
	[tilespmem:$0x19800] =	vst v63  }
0x1ed: {  	s0 =	simm.s32 $0x13000  }
0x1ee: {  	[tilespmem:s0], [sflag:$0x3] =	stream.indirect_vreg.gather [hbm4b:s5+s3], $0x80, v7, vm0, $0xb8;
	[tilespmem:$0x19800] =	vst v63  }
0x1ef: {  	v7 =	vld [tilespmem:$0x1290];
	_ =	sdelay $0x4  }
0x1f0: {  	v8 =	vshll.u32 v7, $0x2  }
0x1f1: {  	v7 =	vand.u32 $0x7, v7;
	v8 =	vand.u32 $0xFFFFFFE0, v8  }
0x1f2: {  	v7 =	vor.u32 v7, v8  }
0x1f3: {  	v8 =	vperm.xlane v7, v4;
	_ =	sdelay $0x1  }
0x1f4: {  	v8 =	vadd.s32 v5, v8;
	_ =	sdelay $0x1  }
0x1f5: {  	v7 =	vperm.xlane v7, v6;
	_ =	sdelay $0x1  }
0x1f6: {  	s0 =	simm.s32 $0x13800;
	v7 =	vadd.s32 v5, v7  }
0x1f7: {  	[tilespmem:s0], [sflag:$0x3] =	stream.indirect_vreg.gather [hbm4b:s1+s3], $0x80, v8, vm0, $0xb8;
	[tilespmem:$0x19800] =	vst v63  }
0x1f8: {  	s0 =	simm.s32 $0x14000  }
0x1f9: {  	[tilespmem:s0], [sflag:$0x3] =	stream.indirect_vreg.gather [hbm4b:s5+s3], $0x80, v8, vm0, $0xb8;
	[tilespmem:$0x19800] =	vst v63  }
0x1fa: {  	s0 =	simm.s32 $0x14800  }
0x1fb: {  	[tilespmem:s0], [sflag:$0x3] =	stream.indirect_vreg.gather [hbm4b:s1+s3], $0x80, v7, vm0, $0xb8;
	[tilespmem:$0x19800] =	vst v63  }
0x1fc: {  	s0 =	simm.s32 $0x15000  }
0x1fd: {  	[tilespmem:s0], [sflag:$0x3] =	stream.indirect_vreg.gather [hbm4b:s5+s3], $0x80, v7, vm0, $0xb8;
	[tilespmem:$0x19800] =	vst v63  }
0x1fe: {  	v7 =	vld [tilespmem:$0x12A0];
	_ =	sdelay $0x4  }
0x1ff: {  	v8 =	vshll.u32 v7, $0x2  }
0x200: {  	v7 =	vand.u32 $0x7, v7;
	v8 =	vand.u32 $0xFFFFFFE0, v8  }
0x201: {  	v7 =	vor.u32 v7, v8  }
0x202: {  	v8 =	vperm.xlane v7, v4;
	_ =	sdelay $0x1  }
0x203: {  	v8 =	vadd.s32 v5, v8;
	_ =	sdelay $0x1  }
0x204: {  	v7 =	vperm.xlane v7, v6;
	_ =	sdelay $0x1  }
0x205: {  	s0 =	simm.s32 $0x15800;
	v7 =	vadd.s32 v5, v7  }
0x206: {  	[tilespmem:s0], [sflag:$0x3] =	stream.indirect_vreg.gather [hbm4b:s1+s3], $0x80, v8, vm0, $0xb8;
	[tilespmem:$0x19800] =	vst v63  }
0x207: {  	s0 =	simm.s32 $0x16000  }
0x208: {  	[tilespmem:s0], [sflag:$0x3] =	stream.indirect_vreg.gather [hbm4b:s5+s3], $0x80, v8, vm0, $0xb8;
	[tilespmem:$0x19800] =	vst v63  }
0x209: {  	s0 =	simm.s32 $0x16800  }
0x20a: {  	[tilespmem:s0], [sflag:$0x3] =	stream.indirect_vreg.gather [hbm4b:s1+s3], $0x80, v7, vm0, $0xb8;
	[tilespmem:$0x19800] =	vst v63  }
0x20b: {  	s0 =	simm.s32 $0x17000  }
0x20c: {  	[tilespmem:s0], [sflag:$0x3] =	stream.indirect_vreg.gather [hbm4b:s5+s3], $0x80, v7, vm0, $0xb8;
	[tilespmem:$0x19800] =	vst v63  }
0x20d: {  	v7 =	vld [tilespmem:$0x12B0];
	_ =	sdelay $0x4  }
0x20e: {  	v8 =	vshll.u32 v7, $0x2  }
0x20f: {  	v7 =	vand.u32 $0x7, v7;
	v8 =	vand.u32 $0xFFFFFFE0, v8  }
0x210: {  	v7 =	vor.u32 v7, v8  }
0x211: {  	v8 =	vperm.xlane v7, v4;
	_ =	sdelay $0x1  }
0x212: {  	v8 =	vadd.s32 v5, v8;
	_ =	sdelay $0x1  }
0x213: {  	v7 =	vperm.xlane v7, v6;
	_ =	sdelay $0x1  }
0x214: {  	s0 =	simm.s32 $0x17800;
	v7 =	vadd.s32 v5, v7  }
0x215: {  	[tilespmem:s0], [sflag:$0x3] =	stream.indirect_vreg.gather [hbm4b:s1+s3], $0x80, v8, vm0, $0xb8;
	[tilespmem:$0x19800] =	vst v63  }
0x216: {  	s0 =	simm.s32 $0x18000  }
0x217: {  	[tilespmem:s0], [sflag:$0x3] =	stream.indirect_vreg.gather [hbm4b:s5+s3], $0x80, v8, vm0, $0xb8;
	[tilespmem:$0x19800] =	vst v63  }
0x218: {  	s0 =	simm.s32 $0x18800  }
0x219: {  	[tilespmem:s0], [sflag:$0x3] =	stream.indirect_vreg.gather [hbm4b:s1+s3], $0x80, v7, vm0, $0xb8;
	[tilespmem:$0x19800] =	vst v63  }
0x21a: {  	s0 =	simm.s32 $0x19000  }
0x21b: {  	[tilespmem:s0], [sflag:$0x3] =	stream.indirect_vreg.gather [hbm4b:s5+s3], $0x80, v7, vm0, $0xb8;
	[tilespmem:$0x19800] =	vst v63  }
0x21c: {  	_ =	swait.ge [sflag:s17], $0x8000  }
0x21d: {  	[sflag:s17] =	ssyncset.done $0x0  }
0x21e: {  	s0 =	rddreg [dreg:$0x8];
	[sflag:s17] =	ssyncadd.s32 $0xFFFF8000  }
0x21f: {  	[hbm4b:s0+s3] =	stream.linear.scatter [tilespmem:s25], [sflag:$0x4], $0x8000, $0x38;
	[tilespmem:$0x19800] =	vst v63  }
0x220: {  	_ =	swait.ge [sflag:s18], $0x8000  }
0x221: {  	[sflag:s18] =	ssyncset.done $0x0  }
0x222: {  	[sflag:s18] =	ssyncadd.s32 $0xFFFF8000  }
0x223: {  	v7 =	vld [tilespmem:$0x1300];
	_ =	sdelay $0x4  }
0x224: {  	v8 =	vshll.u32 v7, $0x2  }
0x225: {  	v7 =	vand.u32 $0x7, v7;
	v8 =	vand.u32 $0xFFFFFFE0, v8  }
0x226: {  	v7 =	vor.u32 v7, v8  }
0x227: {  	v8 =	vperm.xlane v7, v4;
	_ =	sdelay $0x1  }
0x228: {  	v8 =	vadd.s32 v5, v8;
	_ =	sdelay $0x1  }
0x229: {  	v7 =	vperm.xlane v7, v6;
	_ =	sdelay $0x1  }
0x22a: {  	v7 =	vadd.s32 v5, v7  }
0x22b: {  	[tilespmem:s25], [sflag:$0x1] =	stream.indirect_vreg.gather [hbm4b:s1+s3], $0x80, v8, vm0, $0xb8;
	[tilespmem:$0x19800] =	vst v63  }
0x22c: {  	s23 =	simm.s32 $0x2000  }
0x22d: {  	[tilespmem:s23], [sflag:$0x1] =	stream.indirect_vreg.gather [hbm4b:s5+s3], $0x80, v8, vm0, $0xb8;
	[tilespmem:$0x19800] =	vst v63  }
0x22e: {  	s29 =	simm.s32 $0x2800  }
0x22f: {  	[tilespmem:s29], [sflag:$0x1] =	stream.indirect_vreg.gather [hbm4b:s1+s3], $0x80, v7, vm0, $0xb8;
	[tilespmem:$0x19800] =	vst v63  }
0x230: {  	s0 =	simm.s32 $0x3000  }
0x231: {  	[tilespmem:s0], [sflag:$0x1] =	stream.indirect_vreg.gather [hbm4b:s5+s3], $0x80, v7, vm0, $0xb8;
	[tilespmem:$0x19800] =	vst v63  }
0x232: {  	v7 =	vld [tilespmem:$0x1310];
	_ =	sdelay $0x4  }
0x233: {  	v8 =	vshll.u32 v7, $0x2  }
0x234: {  	v7 =	vand.u32 $0x7, v7;
	v8 =	vand.u32 $0xFFFFFFE0, v8  }
0x235: {  	v7 =	vor.u32 v7, v8  }
0x236: {  	v8 =	vperm.xlane v7, v4;
	_ =	sdelay $0x1  }
0x237: {  	v8 =	vadd.s32 v5, v8;
	_ =	sdelay $0x1  }
0x238: {  	v7 =	vperm.xlane v7, v6;
	_ =	sdelay $0x1  }
0x239: {  	s28 =	simm.s32 $0x3800;
	v7 =	vadd.s32 v5, v7  }
0x23a: {  	[tilespmem:s28], [sflag:$0x1] =	stream.indirect_vreg.gather [hbm4b:s1+s3], $0x80, v8, vm0, $0xb8;
	[tilespmem:$0x19800] =	vst v63  }
0x23b: {  	s9 =	simm.s32 $0x4000  }
0x23c: {  	[tilespmem:s9], [sflag:$0x1] =	stream.indirect_vreg.gather [hbm4b:s5+s3], $0x80, v8, vm0, $0xb8;
	[tilespmem:$0x19800] =	vst v63  }
0x23d: {  	s10 =	simm.s32 $0x4800  }
0x23e: {  	[tilespmem:s10], [sflag:$0x1] =	stream.indirect_vreg.gather [hbm4b:s1+s3], $0x80, v7, vm0, $0xb8;
	[tilespmem:$0x19800] =	vst v63  }
0x23f: {  	s24 =	simm.s32 $0x5000  }
0x240: {  	[tilespmem:s24], [sflag:$0x1] =	stream.indirect_vreg.gather [hbm4b:s5+s3], $0x80, v7, vm0, $0xb8;
	[tilespmem:$0x19800] =	vst v63  }
0x241: {  	v7 =	vld [tilespmem:$0x1320];
	_ =	sdelay $0x4  }
0x242: {  	v8 =	vshll.u32 v7, $0x2  }
0x243: {  	v7 =	vand.u32 $0x7, v7;
	v8 =	vand.u32 $0xFFFFFFE0, v8  }
0x244: {  	v7 =	vor.u32 v7, v8  }
0x245: {  	v8 =	vperm.xlane v7, v4;
	_ =	sdelay $0x1  }
0x246: {  	v8 =	vadd.s32 v5, v8;
	_ =	sdelay $0x1  }
0x247: {  	v7 =	vperm.xlane v7, v6;
	_ =	sdelay $0x1  }
0x248: {  	s11 =	simm.s32 $0x5800;
	v7 =	vadd.s32 v5, v7  }
0x249: {  	[tilespmem:s11], [sflag:$0x1] =	stream.indirect_vreg.gather [hbm4b:s1+s3], $0x80, v8, vm0, $0xb8;
	[tilespmem:$0x19800] =	vst v63  }
0x24a: {  	s12 =	simm.s32 $0x6000  }
0x24b: {  	[tilespmem:s12], [sflag:$0x1] =	stream.indirect_vreg.gather [hbm4b:s5+s3], $0x80, v8, vm0, $0xb8;
	[tilespmem:$0x19800] =	vst v63  }
0x24c: {  	s13 =	simm.s32 $0x6800  }
0x24d: {  	[tilespmem:s13], [sflag:$0x1] =	stream.indirect_vreg.gather [hbm4b:s1+s3], $0x80, v7, vm0, $0xb8;
	[tilespmem:$0x19800] =	vst v63  }
0x24e: {  	s30 =	simm.s32 $0x7000  }
0x24f: {  	[tilespmem:s30], [sflag:$0x1] =	stream.indirect_vreg.gather [hbm4b:s5+s3], $0x80, v7, vm0, $0xb8;
	[tilespmem:$0x19800] =	vst v63  }
0x250: {  	v7 =	vld [tilespmem:$0x1330];
	_ =	sdelay $0x4  }
0x251: {  	v8 =	vshll.u32 v7, $0x2  }
0x252: {  	v7 =	vand.u32 $0x7, v7;
	v8 =	vand.u32 $0xFFFFFFE0, v8  }
0x253: {  	v7 =	vor.u32 v7, v8  }
0x254: {  	v8 =	vperm.xlane v7, v4;
	_ =	sdelay $0x1  }
0x255: {  	v8 =	vadd.s32 v5, v8;
	_ =	sdelay $0x1  }
0x256: {  	v7 =	vperm.xlane v7, v6;
	_ =	sdelay $0x1  }
0x257: {  	s7 =	simm.s32 $0x7800;
	v7 =	vadd.s32 v5, v7  }
0x258: {  	[tilespmem:s7], [sflag:$0x1] =	stream.indirect_vreg.gather [hbm4b:s1+s3], $0x80, v8, vm0, $0xb8;
	[tilespmem:$0x19800] =	vst v63  }
0x259: {  	s14 =	simm.s32 $0x8000  }
0x25a: {  	[tilespmem:s14], [sflag:$0x1] =	stream.indirect_vreg.gather [hbm4b:s5+s3], $0x80, v8, vm0, $0xb8;
	[tilespmem:$0x19800] =	vst v63  }
0x25b: {  	s15 =	simm.s32 $0x8800  }
0x25c: {  	[tilespmem:s15], [sflag:$0x1] =	stream.indirect_vreg.gather [hbm4b:s1+s3], $0x80, v7, vm0, $0xb8;
	[tilespmem:$0x19800] =	vst v63  }
0x25d: {  	s8 =	simm.s32 $0x9000  }
0x25e: {  	[tilespmem:s8], [sflag:$0x1] =	stream.indirect_vreg.gather [hbm4b:s5+s3], $0x80, v7, vm0, $0xb8;
	[tilespmem:$0x19800] =	vst v63  }
0x25f: {  	_ =	swait.ge [sflag:s19], $0x8000  }
0x260: {  	[sflag:s19] =	ssyncset.done $0x0  }
0x261: {  	s0 =	rddreg [dreg:$0x9];
	[sflag:s19] =	ssyncadd.s32 $0xFFFF8000  }
0x262: {  	[hbm4b:s0+s3] =	stream.linear.scatter [tilespmem:s20], [sflag:$0x5], $0x8000, $0x38;
	[tilespmem:$0x19800] =	vst v63  }
0x263: {  	_ =	swait.ge [sflag:s21], $0x8000  }
0x264: {  	[sflag:s21] =	ssyncset.done $0x0  }
0x265: {  	[sflag:s21] =	ssyncadd.s32 $0xFFFF8000  }
0x266: {  	v7 =	vld [tilespmem:$0x1380];
	_ =	sdelay $0x4  }
0x267: {  	v8 =	vshll.u32 v7, $0x2  }
0x268: {  	v7 =	vand.u32 $0x7, v7;
	v8 =	vand.u32 $0xFFFFFFE0, v8  }
0x269: {  	v7 =	vor.u32 v7, v8  }
0x26a: {  	v8 =	vperm.xlane v7, v4;
	_ =	sdelay $0x1  }
0x26b: {  	v8 =	vadd.s32 v5, v8;
	_ =	sdelay $0x1  }
0x26c: {  	v7 =	vperm.xlane v7, v6;
	_ =	sdelay $0x1  }
0x26d: {  	v7 =	vadd.s32 v5, v7  }
0x26e: {  	[tilespmem:s20], [sflag:$0x2] =	stream.indirect_vreg.gather [hbm4b:s1+s3], $0x80, v8, vm0, $0xb8;
	[tilespmem:$0x19800] =	vst v63  }
0x26f: {  	s0 =	simm.s32 $0xA000  }
0x270: {  	[tilespmem:s0], [sflag:$0x2] =	stream.indirect_vreg.gather [hbm4b:s5+s3], $0x80, v8, vm0, $0xb8;
	[tilespmem:$0x19800] =	vst v63  }
0x271: {  	s0 =	simm.s32 $0xA800  }
0x272: {  	[tilespmem:s0], [sflag:$0x2] =	stream.indirect_vreg.gather [hbm4b:s1+s3], $0x80, v7, vm0, $0xb8;
	[tilespmem:$0x19800] =	vst v63  }
0x273: {  	s0 =	simm.s32 $0xB000  }
0x274: {  	[tilespmem:s0], [sflag:$0x2] =	stream.indirect_vreg.gather [hbm4b:s5+s3], $0x80, v7, vm0, $0xb8;
	[tilespmem:$0x19800] =	vst v63  }
0x275: {  	v7 =	vld [tilespmem:$0x1390];
	_ =	sdelay $0x4  }
0x276: {  	v8 =	vshll.u32 v7, $0x2  }
0x277: {  	v7 =	vand.u32 $0x7, v7;
	v8 =	vand.u32 $0xFFFFFFE0, v8  }
0x278: {  	v7 =	vor.u32 v7, v8  }
0x279: {  	v8 =	vperm.xlane v7, v4;
	_ =	sdelay $0x1  }
0x27a: {  	v8 =	vadd.s32 v5, v8;
	_ =	sdelay $0x1  }
0x27b: {  	v7 =	vperm.xlane v7, v6;
	_ =	sdelay $0x1  }
0x27c: {  	s0 =	simm.s32 $0xB800;
	v7 =	vadd.s32 v5, v7  }
0x27d: {  	[tilespmem:s0], [sflag:$0x2] =	stream.indirect_vreg.gather [hbm4b:s1+s3], $0x80, v8, vm0, $0xb8;
	[tilespmem:$0x19800] =	vst v63  }
0x27e: {  	s0 =	simm.s32 $0xC000  }
0x27f: {  	[tilespmem:s0], [sflag:$0x2] =	stream.indirect_vreg.gather [hbm4b:s5+s3], $0x80, v8, vm0, $0xb8;
	[tilespmem:$0x19800] =	vst v63  }
0x280: {  	s0 =	simm.s32 $0xC800  }
0x281: {  	[tilespmem:s0], [sflag:$0x2] =	stream.indirect_vreg.gather [hbm4b:s1+s3], $0x80, v7, vm0, $0xb8;
	[tilespmem:$0x19800] =	vst v63  }
0x282: {  	s0 =	simm.s32 $0xD000  }
0x283: {  	[tilespmem:s0], [sflag:$0x2] =	stream.indirect_vreg.gather [hbm4b:s5+s3], $0x80, v7, vm0, $0xb8;
	[tilespmem:$0x19800] =	vst v63  }
0x284: {  	v7 =	vld [tilespmem:$0x13A0];
	_ =	sdelay $0x4  }
0x285: {  	v8 =	vshll.u32 v7, $0x2  }
0x286: {  	v7 =	vand.u32 $0x7, v7;
	v8 =	vand.u32 $0xFFFFFFE0, v8  }
0x287: {  	v7 =	vor.u32 v7, v8  }
0x288: {  	v8 =	vperm.xlane v7, v4;
	_ =	sdelay $0x1  }
0x289: {  	v8 =	vadd.s32 v5, v8;
	_ =	sdelay $0x1  }
0x28a: {  	v7 =	vperm.xlane v7, v6;
	_ =	sdelay $0x1  }
0x28b: {  	s0 =	simm.s32 $0xD800;
	v7 =	vadd.s32 v5, v7  }
0x28c: {  	[tilespmem:s0], [sflag:$0x2] =	stream.indirect_vreg.gather [hbm4b:s1+s3], $0x80, v8, vm0, $0xb8;
	[tilespmem:$0x19800] =	vst v63  }
0x28d: {  	s0 =	simm.s32 $0xE000  }
0x28e: {  	[tilespmem:s0], [sflag:$0x2] =	stream.indirect_vreg.gather [hbm4b:s5+s3], $0x80, v8, vm0, $0xb8;
	[tilespmem:$0x19800] =	vst v63  }
0x28f: {  	s0 =	simm.s32 $0xE800  }
0x290: {  	[tilespmem:s0], [sflag:$0x2] =	stream.indirect_vreg.gather [hbm4b:s1+s3], $0x80, v7, vm0, $0xb8;
	[tilespmem:$0x19800] =	vst v63  }
0x291: {  	s0 =	simm.s32 $0xF000  }
0x292: {  	[tilespmem:s0], [sflag:$0x2] =	stream.indirect_vreg.gather [hbm4b:s5+s3], $0x80, v7, vm0, $0xb8;
	[tilespmem:$0x19800] =	vst v63  }
0x293: {  	v7 =	vld [tilespmem:$0x13B0];
	_ =	sdelay $0x4  }
0x294: {  	v8 =	vshll.u32 v7, $0x2  }
0x295: {  	v7 =	vand.u32 $0x7, v7;
	v8 =	vand.u32 $0xFFFFFFE0, v8  }
0x296: {  	v7 =	vor.u32 v7, v8  }
0x297: {  	v8 =	vperm.xlane v7, v4;
	_ =	sdelay $0x1  }
0x298: {  	v8 =	vadd.s32 v5, v8;
	_ =	sdelay $0x1  }
0x299: {  	v7 =	vperm.xlane v7, v6;
	_ =	sdelay $0x1  }
0x29a: {  	s0 =	simm.s32 $0xF800;
	v7 =	vadd.s32 v5, v7  }
0x29b: {  	[tilespmem:s0], [sflag:$0x2] =	stream.indirect_vreg.gather [hbm4b:s1+s3], $0x80, v8, vm0, $0xb8;
	[tilespmem:$0x19800] =	vst v63  }
0x29c: {  	s0 =	simm.s32 $0x10000  }
0x29d: {  	[tilespmem:s0], [sflag:$0x2] =	stream.indirect_vreg.gather [hbm4b:s5+s3], $0x80, v8, vm0, $0xb8;
	[tilespmem:$0x19800] =	vst v63  }
0x29e: {  	s0 =	simm.s32 $0x10800  }
0x29f: {  	[tilespmem:s0], [sflag:$0x2] =	stream.indirect_vreg.gather [hbm4b:s1+s3], $0x80, v7, vm0, $0xb8;
	[tilespmem:$0x19800] =	vst v63  }
0x2a0: {  	s0 =	simm.s32 $0x11000  }
0x2a1: {  	[tilespmem:s0], [sflag:$0x2] =	stream.indirect_vreg.gather [hbm4b:s5+s3], $0x80, v7, vm0, $0xb8;
	[tilespmem:$0x19800] =	vst v63  }
0x2a2: {  	_ =	swait.ge [sflag:s22], $0x8000  }
0x2a3: {  	[sflag:s22] =	ssyncset.done $0x0  }
0x2a4: {  	s0 =	rddreg [dreg:$0xa];
	[sflag:s22] =	ssyncadd.s32 $0xFFFF8000  }
0x2a5: {  	[hbm4b:s0+s3] =	stream.linear.scatter [tilespmem:s2], [sflag:$0x6], $0x8000, $0x38;
	[tilespmem:$0x19800] =	vst v63  }
0x2a6: {  	_ =	swait.ge [sflag:s6], $0x8000  }
0x2a7: {  	[sflag:s6] =	ssyncset.done $0x0  }
0x2a8: {  	[sflag:s6] =	ssyncadd.s32 $0xFFFF8000  }
0x2a9: {  	v7 =	vld [tilespmem:$0x1400];
	_ =	sdelay $0x4  }
0x2aa: {  	v8 =	vshll.u32 v7, $0x2  }
0x2ab: {  	v7 =	vand.u32 $0x7, v7;
	v8 =	vand.u32 $0xFFFFFFE0, v8  }
0x2ac: {  	v7 =	vor.u32 v7, v8  }
0x2ad: {  	v8 =	vperm.xlane v7, v4;
	_ =	sdelay $0x1  }
0x2ae: {  	v8 =	vadd.s32 v5, v8;
	_ =	sdelay $0x1  }
0x2af: {  	v7 =	vperm.xlane v7, v6;
	_ =	sdelay $0x1  }
0x2b0: {  	v7 =	vadd.s32 v5, v7  }
0x2b1: {  	[tilespmem:s2], [sflag:$0x3] =	stream.indirect_vreg.gather [hbm4b:s1+s3], $0x80, v8, vm0, $0xb8;
	[tilespmem:$0x19800] =	vst v63  }
0x2b2: {  	s16 =	simm.s32 $0x12000  }
0x2b3: {  	[tilespmem:s16], [sflag:$0x3] =	stream.indirect_vreg.gather [hbm4b:s5+s3], $0x80, v8, vm0, $0xb8;
	[tilespmem:$0x19800] =	vst v63  }
0x2b4: {  	s31 =	simm.s32 $0x12800  }
0x2b5: {  	[tilespmem:s31], [sflag:$0x3] =	stream.indirect_vreg.gather [hbm4b:s1+s3], $0x80, v7, vm0, $0xb8;
	[tilespmem:$0x19800] =	vst v63  }
0x2b6: {  	s0 =	simm.s32 $0x13000  }
0x2b7: {  	[tilespmem:s0], [sflag:$0x3] =	stream.indirect_vreg.gather [hbm4b:s5+s3], $0x80, v7, vm0, $0xb8;
	[tilespmem:$0x19800] =	vst v63  }
0x2b8: {  	v7 =	vld [tilespmem:$0x1410];
	_ =	sdelay $0x4  }
0x2b9: {  	v8 =	vshll.u32 v7, $0x2  }
0x2ba: {  	v7 =	vand.u32 $0x7, v7;
	v8 =	vand.u32 $0xFFFFFFE0, v8  }
0x2bb: {  	v7 =	vor.u32 v7, v8  }
0x2bc: {  	v8 =	vperm.xlane v7, v4;
	_ =	sdelay $0x1  }
0x2bd: {  	v8 =	vadd.s32 v5, v8;
	_ =	sdelay $0x1  }
0x2be: {  	v7 =	vperm.xlane v7, v6;
	_ =	sdelay $0x1  }
0x2bf: {  	s0 =	simm.s32 $0x13800;
	v7 =	vadd.s32 v5, v7  }
0x2c0: {  	[tilespmem:s0], [sflag:$0x3] =	stream.indirect_vreg.gather [hbm4b:s1+s3], $0x80, v8, vm0, $0xb8;
	[tilespmem:$0x19800] =	vst v63  }
0x2c1: {  	s0 =	simm.s32 $0x14000  }
0x2c2: {  	[tilespmem:s0], [sflag:$0x3] =	stream.indirect_vreg.gather [hbm4b:s5+s3], $0x80, v8, vm0, $0xb8;
	[tilespmem:$0x19800] =	vst v63  }
0x2c3: {  	s0 =	simm.s32 $0x14800  }
0x2c4: {  	[tilespmem:s0], [sflag:$0x3] =	stream.indirect_vreg.gather [hbm4b:s1+s3], $0x80, v7, vm0, $0xb8;
	[tilespmem:$0x19800] =	vst v63  }
0x2c5: {  	s0 =	simm.s32 $0x15000  }
0x2c6: {  	[tilespmem:s0], [sflag:$0x3] =	stream.indirect_vreg.gather [hbm4b:s5+s3], $0x80, v7, vm0, $0xb8;
	[tilespmem:$0x19800] =	vst v63  }
0x2c7: {  	v7 =	vld [tilespmem:$0x1420];
	_ =	sdelay $0x4  }
0x2c8: {  	v8 =	vshll.u32 v7, $0x2  }
0x2c9: {  	v7 =	vand.u32 $0x7, v7;
	v8 =	vand.u32 $0xFFFFFFE0, v8  }
0x2ca: {  	v7 =	vor.u32 v7, v8  }
0x2cb: {  	v8 =	vperm.xlane v7, v4;
	_ =	sdelay $0x1  }
0x2cc: {  	v8 =	vadd.s32 v5, v8;
	_ =	sdelay $0x1  }
0x2cd: {  	v7 =	vperm.xlane v7, v6;
	_ =	sdelay $0x1  }
0x2ce: {  	s0 =	simm.s32 $0x15800;
	v7 =	vadd.s32 v5, v7  }
0x2cf: {  	[tilespmem:s0], [sflag:$0x3] =	stream.indirect_vreg.gather [hbm4b:s1+s3], $0x80, v8, vm0, $0xb8;
	[tilespmem:$0x19800] =	vst v63  }
0x2d0: {  	s0 =	simm.s32 $0x16000  }
0x2d1: {  	[tilespmem:s0], [sflag:$0x3] =	stream.indirect_vreg.gather [hbm4b:s5+s3], $0x80, v8, vm0, $0xb8;
	[tilespmem:$0x19800] =	vst v63  }
0x2d2: {  	s0 =	simm.s32 $0x16800  }
0x2d3: {  	[tilespmem:s0], [sflag:$0x3] =	stream.indirect_vreg.gather [hbm4b:s1+s3], $0x80, v7, vm0, $0xb8;
	[tilespmem:$0x19800] =	vst v63  }
0x2d4: {  	s0 =	simm.s32 $0x17000  }
0x2d5: {  	[tilespmem:s0], [sflag:$0x3] =	stream.indirect_vreg.gather [hbm4b:s5+s3], $0x80, v7, vm0, $0xb8;
	[tilespmem:$0x19800] =	vst v63  }
0x2d6: {  	v7 =	vld [tilespmem:$0x1430];
	_ =	sdelay $0x4  }
0x2d7: {  	v8 =	vshll.u32 v7, $0x2  }
0x2d8: {  	v7 =	vand.u32 $0x7, v7;
	v8 =	vand.u32 $0xFFFFFFE0, v8  }
0x2d9: {  	v7 =	vor.u32 v7, v8  }
0x2da: {  	v8 =	vperm.xlane v7, v4;
	_ =	sdelay $0x1  }
0x2db: {  	v8 =	vadd.s32 v5, v8;
	_ =	sdelay $0x1  }
0x2dc: {  	v7 =	vperm.xlane v7, v6;
	_ =	sdelay $0x1  }
0x2dd: {  	s0 =	simm.s32 $0x17800;
	v7 =	vadd.s32 v5, v7  }
0x2de: {  	[tilespmem:s0], [sflag:$0x3] =	stream.indirect_vreg.gather [hbm4b:s1+s3], $0x80, v8, vm0, $0xb8;
	[tilespmem:$0x19800] =	vst v63  }
0x2df: {  	s0 =	simm.s32 $0x18000  }
0x2e0: {  	[tilespmem:s0], [sflag:$0x3] =	stream.indirect_vreg.gather [hbm4b:s5+s3], $0x80, v8, vm0, $0xb8;
	[tilespmem:$0x19800] =	vst v63  }
0x2e1: {  	s0 =	simm.s32 $0x18800  }
0x2e2: {  	[tilespmem:s0], [sflag:$0x3] =	stream.indirect_vreg.gather [hbm4b:s1+s3], $0x80, v7, vm0, $0xb8;
	[tilespmem:$0x19800] =	vst v63  }
0x2e3: {  	s0 =	simm.s32 $0x19000  }
0x2e4: {  	[tilespmem:s0], [sflag:$0x3] =	stream.indirect_vreg.gather [hbm4b:s5+s3], $0x80, v7, vm0, $0xb8;
	[tilespmem:$0x19800] =	vst v63  }
0x2e5: {  	_ =	swait.ge [sflag:s17], $0x8000  }
0x2e6: {  	[sflag:s17] =	ssyncset.done $0x0  }
0x2e7: {  	s0 =	rddreg [dreg:$0xb];
	[sflag:s17] =	ssyncadd.s32 $0xFFFF8000  }
0x2e8: {  	[hbm4b:s0+s3] =	stream.linear.scatter [tilespmem:s25], [sflag:$0x4], $0x8000, $0x38;
	[tilespmem:$0x19800] =	vst v63  }
0x2e9: {  	_ =	swait.ge [sflag:s18], $0x8000  }
0x2ea: {  	[sflag:s18] =	ssyncset.done $0x0  }
0x2eb: {  	[sflag:s18] =	ssyncadd.s32 $0xFFFF8000  }
0x2ec: {  	v7 =	vld [tilespmem:$0x1480];
	_ =	sdelay $0x4  }
0x2ed: {  	v8 =	vshll.u32 v7, $0x2  }
0x2ee: {  	v7 =	vand.u32 $0x7, v7;
	v8 =	vand.u32 $0xFFFFFFE0, v8  }
0x2ef: {  	v7 =	vor.u32 v7, v8  }
0x2f0: {  	v8 =	vperm.xlane v7, v4;
	_ =	sdelay $0x1  }
0x2f1: {  	v8 =	vadd.s32 v5, v8;
	_ =	sdelay $0x1  }
0x2f2: {  	v7 =	vperm.xlane v7, v6;
	_ =	sdelay $0x1  }
0x2f3: {  	v7 =	vadd.s32 v5, v7  }
0x2f4: {  	[tilespmem:s25], [sflag:$0x1] =	stream.indirect_vreg.gather [hbm4b:s1+s3], $0x80, v8, vm0, $0xb8;
	[tilespmem:$0x19800] =	vst v63  }
0x2f5: {  	s23 =	simm.s32 $0x2000  }
0x2f6: {  	[tilespmem:s23], [sflag:$0x1] =	stream.indirect_vreg.gather [hbm4b:s5+s3], $0x80, v8, vm0, $0xb8;
	[tilespmem:$0x19800] =	vst v63  }
0x2f7: {  	s29 =	simm.s32 $0x2800  }
0x2f8: {  	[tilespmem:s29], [sflag:$0x1] =	stream.indirect_vreg.gather [hbm4b:s1+s3], $0x80, v7, vm0, $0xb8;
	[tilespmem:$0x19800] =	vst v63  }
0x2f9: {  	s0 =	simm.s32 $0x3000  }
0x2fa: {  	[tilespmem:s0], [sflag:$0x1] =	stream.indirect_vreg.gather [hbm4b:s5+s3], $0x80, v7, vm0, $0xb8;
	[tilespmem:$0x19800] =	vst v63  }
0x2fb: {  	v7 =	vld [tilespmem:$0x1490];
	_ =	sdelay $0x4  }
0x2fc: {  	v8 =	vshll.u32 v7, $0x2  }
0x2fd: {  	v7 =	vand.u32 $0x7, v7;
	v8 =	vand.u32 $0xFFFFFFE0, v8  }
0x2fe: {  	v7 =	vor.u32 v7, v8  }
0x2ff: {  	v8 =	vperm.xlane v7, v4;
	_ =	sdelay $0x1  }
0x300: {  	v8 =	vadd.s32 v5, v8;
	_ =	sdelay $0x1  }
0x301: {  	v7 =	vperm.xlane v7, v6;
	_ =	sdelay $0x1  }
0x302: {  	s28 =	simm.s32 $0x3800;
	v7 =	vadd.s32 v5, v7  }
0x303: {  	[tilespmem:s28], [sflag:$0x1] =	stream.indirect_vreg.gather [hbm4b:s1+s3], $0x80, v8, vm0, $0xb8;
	[tilespmem:$0x19800] =	vst v63  }
0x304: {  	s9 =	simm.s32 $0x4000  }
0x305: {  	[tilespmem:s9], [sflag:$0x1] =	stream.indirect_vreg.gather [hbm4b:s5+s3], $0x80, v8, vm0, $0xb8;
	[tilespmem:$0x19800] =	vst v63  }
0x306: {  	s10 =	simm.s32 $0x4800  }
0x307: {  	[tilespmem:s10], [sflag:$0x1] =	stream.indirect_vreg.gather [hbm4b:s1+s3], $0x80, v7, vm0, $0xb8;
	[tilespmem:$0x19800] =	vst v63  }
0x308: {  	s24 =	simm.s32 $0x5000  }
0x309: {  	[tilespmem:s24], [sflag:$0x1] =	stream.indirect_vreg.gather [hbm4b:s5+s3], $0x80, v7, vm0, $0xb8;
	[tilespmem:$0x19800] =	vst v63  }
0x30a: {  	v7 =	vld [tilespmem:$0x14A0];
	_ =	sdelay $0x4  }
0x30b: {  	v8 =	vshll.u32 v7, $0x2  }
0x30c: {  	v7 =	vand.u32 $0x7, v7;
	v8 =	vand.u32 $0xFFFFFFE0, v8  }
0x30d: {  	v7 =	vor.u32 v7, v8  }
0x30e: {  	v8 =	vperm.xlane v7, v4;
	_ =	sdelay $0x1  }
0x30f: {  	v8 =	vadd.s32 v5, v8;
	_ =	sdelay $0x1  }
0x310: {  	v7 =	vperm.xlane v7, v6;
	_ =	sdelay $0x1  }
0x311: {  	s11 =	simm.s32 $0x5800;
	v7 =	vadd.s32 v5, v7  }
0x312: {  	[tilespmem:s11], [sflag:$0x1] =	stream.indirect_vreg.gather [hbm4b:s1+s3], $0x80, v8, vm0, $0xb8;
	[tilespmem:$0x19800] =	vst v63  }
0x313: {  	s12 =	simm.s32 $0x6000  }
0x314: {  	[tilespmem:s12], [sflag:$0x1] =	stream.indirect_vreg.gather [hbm4b:s5+s3], $0x80, v8, vm0, $0xb8;
	[tilespmem:$0x19800] =	vst v63  }
0x315: {  	s13 =	simm.s32 $0x6800  }
0x316: {  	[tilespmem:s13], [sflag:$0x1] =	stream.indirect_vreg.gather [hbm4b:s1+s3], $0x80, v7, vm0, $0xb8;
	[tilespmem:$0x19800] =	vst v63  }
0x317: {  	s30 =	simm.s32 $0x7000  }
0x318: {  	[tilespmem:s30], [sflag:$0x1] =	stream.indirect_vreg.gather [hbm4b:s5+s3], $0x80, v7, vm0, $0xb8;
	[tilespmem:$0x19800] =	vst v63  }
0x319: {  	v7 =	vld [tilespmem:$0x14B0];
	_ =	sdelay $0x4  }
0x31a: {  	v8 =	vshll.u32 v7, $0x2  }
0x31b: {  	v7 =	vand.u32 $0x7, v7;
	v8 =	vand.u32 $0xFFFFFFE0, v8  }
0x31c: {  	v7 =	vor.u32 v7, v8  }
0x31d: {  	v8 =	vperm.xlane v7, v4;
	_ =	sdelay $0x1  }
0x31e: {  	v8 =	vadd.s32 v5, v8;
	_ =	sdelay $0x1  }
0x31f: {  	v7 =	vperm.xlane v7, v6;
	_ =	sdelay $0x1  }
0x320: {  	s7 =	simm.s32 $0x7800;
	v7 =	vadd.s32 v5, v7  }
0x321: {  	[tilespmem:s7], [sflag:$0x1] =	stream.indirect_vreg.gather [hbm4b:s1+s3], $0x80, v8, vm0, $0xb8;
	[tilespmem:$0x19800] =	vst v63  }
0x322: {  	s14 =	simm.s32 $0x8000  }
0x323: {  	[tilespmem:s14], [sflag:$0x1] =	stream.indirect_vreg.gather [hbm4b:s5+s3], $0x80, v8, vm0, $0xb8;
	[tilespmem:$0x19800] =	vst v63  }
0x324: {  	s15 =	simm.s32 $0x8800  }
0x325: {  	[tilespmem:s15], [sflag:$0x1] =	stream.indirect_vreg.gather [hbm4b:s1+s3], $0x80, v7, vm0, $0xb8;
	[tilespmem:$0x19800] =	vst v63  }
0x326: {  	s8 =	simm.s32 $0x9000  }
0x327: {  	[tilespmem:s8], [sflag:$0x1] =	stream.indirect_vreg.gather [hbm4b:s5+s3], $0x80, v7, vm0, $0xb8;
	[tilespmem:$0x19800] =	vst v63  }
0x328: {  	_ =	swait.ge [sflag:s19], $0x8000  }
0x329: {  	[sflag:s19] =	ssyncset.done $0x0  }
0x32a: {  	s30 =	rddreg [dreg:$0xc];
	[sflag:s19] =	ssyncadd.s32 $0xFFFF8000  }
0x32b: {  	[hbm4b:s30+s3] =	stream.linear.scatter [tilespmem:s20], [sflag:$0x5], $0x8000, $0x38;
	[tilespmem:$0x19800] =	vst v63  }
0x32c: {  	_ =	swait.ge [sflag:s21], $0x8000  }
0x32d: {  	[sflag:s21] =	ssyncset.done $0x0  }
0x32e: {  	[sflag:s21] =	ssyncadd.s32 $0xFFFF8000  }
0x32f: {  	v7 =	vld [tilespmem:$0x1500];
	_ =	sdelay $0x4  }
0x330: {  	v8 =	vshll.u32 v7, $0x2  }
0x331: {  	v7 =	vand.u32 $0x7, v7;
	v8 =	vand.u32 $0xFFFFFFE0, v8  }
0x332: {  	v7 =	vor.u32 v7, v8  }
0x333: {  	v8 =	vperm.xlane v7, v4;
	_ =	sdelay $0x1  }
0x334: {  	v8 =	vadd.s32 v5, v8;
	_ =	sdelay $0x1  }
0x335: {  	v7 =	vperm.xlane v7, v6;
	_ =	sdelay $0x1  }
0x336: {  	v7 =	vadd.s32 v5, v7  }
0x337: {  	[tilespmem:s20], [sflag:$0x2] =	stream.indirect_vreg.gather [hbm4b:s1+s3], $0x80, v8, vm0, $0xb8;
	[tilespmem:$0x19800] =	vst v63  }
0x338: {  	s7 =	simm.s32 $0xA000  }
0x339: {  	[tilespmem:s7], [sflag:$0x2] =	stream.indirect_vreg.gather [hbm4b:s5+s3], $0x80, v8, vm0, $0xb8;
	[tilespmem:$0x19800] =	vst v63  }
0x33a: {  	s8 =	simm.s32 $0xA800  }
0x33b: {  	[tilespmem:s8], [sflag:$0x2] =	stream.indirect_vreg.gather [hbm4b:s1+s3], $0x80, v7, vm0, $0xb8;
	[tilespmem:$0x19800] =	vst v63  }
0x33c: {  	s9 =	simm.s32 $0xB000  }
0x33d: {  	[tilespmem:s9], [sflag:$0x2] =	stream.indirect_vreg.gather [hbm4b:s5+s3], $0x80, v7, vm0, $0xb8;
	[tilespmem:$0x19800] =	vst v63  }
0x33e: {  	v7 =	vld [tilespmem:$0x1510];
	_ =	sdelay $0x4  }
0x33f: {  	v8 =	vshll.u32 v7, $0x2  }
0x340: {  	v7 =	vand.u32 $0x7, v7;
	v8 =	vand.u32 $0xFFFFFFE0, v8  }
0x341: {  	v7 =	vor.u32 v7, v8  }
0x342: {  	v8 =	vperm.xlane v7, v4;
	_ =	sdelay $0x1  }
0x343: {  	v8 =	vadd.s32 v5, v8;
	_ =	sdelay $0x1  }
0x344: {  	v7 =	vperm.xlane v7, v6;
	_ =	sdelay $0x1  }
0x345: {  	s10 =	simm.s32 $0xB800;
	v7 =	vadd.s32 v5, v7  }
0x346: {  	[tilespmem:s10], [sflag:$0x2] =	stream.indirect_vreg.gather [hbm4b:s1+s3], $0x80, v8, vm0, $0xb8;
	[tilespmem:$0x19800] =	vst v63  }
0x347: {  	s11 =	simm.s32 $0xC000  }
0x348: {  	[tilespmem:s11], [sflag:$0x2] =	stream.indirect_vreg.gather [hbm4b:s5+s3], $0x80, v8, vm0, $0xb8;
	[tilespmem:$0x19800] =	vst v63  }
0x349: {  	s12 =	simm.s32 $0xC800  }
0x34a: {  	[tilespmem:s12], [sflag:$0x2] =	stream.indirect_vreg.gather [hbm4b:s1+s3], $0x80, v7, vm0, $0xb8;
	[tilespmem:$0x19800] =	vst v63  }
0x34b: {  	s13 =	simm.s32 $0xD000  }
0x34c: {  	[tilespmem:s13], [sflag:$0x2] =	stream.indirect_vreg.gather [hbm4b:s5+s3], $0x80, v7, vm0, $0xb8;
	[tilespmem:$0x19800] =	vst v63  }
0x34d: {  	v7 =	vld [tilespmem:$0x1520];
	_ =	sdelay $0x4  }
0x34e: {  	v8 =	vshll.u32 v7, $0x2  }
0x34f: {  	v7 =	vand.u32 $0x7, v7;
	v8 =	vand.u32 $0xFFFFFFE0, v8  }
0x350: {  	v7 =	vor.u32 v7, v8  }
0x351: {  	v8 =	vperm.xlane v7, v4;
	_ =	sdelay $0x1  }
0x352: {  	v8 =	vadd.s32 v5, v8;
	_ =	sdelay $0x1  }
0x353: {  	v7 =	vperm.xlane v7, v6;
	_ =	sdelay $0x1  }
0x354: {  	s14 =	simm.s32 $0xD800;
	v7 =	vadd.s32 v5, v7  }
0x355: {  	[tilespmem:s14], [sflag:$0x2] =	stream.indirect_vreg.gather [hbm4b:s1+s3], $0x80, v8, vm0, $0xb8;
	[tilespmem:$0x19800] =	vst v63  }
0x356: {  	s15 =	simm.s32 $0xE000  }
0x357: {  	[tilespmem:s15], [sflag:$0x2] =	stream.indirect_vreg.gather [hbm4b:s5+s3], $0x80, v8, vm0, $0xb8;
	[tilespmem:$0x19800] =	vst v63  }
0x358: {  	s24 =	simm.s32 $0xE800  }
0x359: {  	[tilespmem:s24], [sflag:$0x2] =	stream.indirect_vreg.gather [hbm4b:s1+s3], $0x80, v7, vm0, $0xb8;
	[tilespmem:$0x19800] =	vst v63  }
0x35a: {  	s30 =	simm.s32 $0xF000  }
0x35b: {  	[tilespmem:s30], [sflag:$0x2] =	stream.indirect_vreg.gather [hbm4b:s5+s3], $0x80, v7, vm0, $0xb8;
	[tilespmem:$0x19800] =	vst v63  }
0x35c: {  	v7 =	vld [tilespmem:$0x1530];
	_ =	sdelay $0x4  }
0x35d: {  	v8 =	vshll.u32 v7, $0x2  }
0x35e: {  	v7 =	vand.u32 $0x7, v7;
	v8 =	vand.u32 $0xFFFFFFE0, v8  }
0x35f: {  	v7 =	vor.u32 v7, v8  }
0x360: {  	v8 =	vperm.xlane v7, v4;
	_ =	sdelay $0x1  }
0x361: {  	v8 =	vadd.s32 v5, v8;
	_ =	sdelay $0x1  }
0x362: {  	v7 =	vperm.xlane v7, v6;
	_ =	sdelay $0x1  }
0x363: {  	s7 =	simm.s32 $0xF800;
	v7 =	vadd.s32 v5, v7  }
0x364: {  	[tilespmem:s7], [sflag:$0x2] =	stream.indirect_vreg.gather [hbm4b:s1+s3], $0x80, v8, vm0, $0xb8;
	[tilespmem:$0x19800] =	vst v63  }
0x365: {  	s8 =	simm.s32 $0x10000  }
0x366: {  	[tilespmem:s8], [sflag:$0x2] =	stream.indirect_vreg.gather [hbm4b:s5+s3], $0x80, v8, vm0, $0xb8;
	[tilespmem:$0x19800] =	vst v63  }
0x367: {  	s9 =	simm.s32 $0x10800  }
0x368: {  	[tilespmem:s9], [sflag:$0x2] =	stream.indirect_vreg.gather [hbm4b:s1+s3], $0x80, v7, vm0, $0xb8;
	[tilespmem:$0x19800] =	vst v63  }
0x369: {  	s10 =	simm.s32 $0x11000  }
0x36a: {  	[tilespmem:s10], [sflag:$0x2] =	stream.indirect_vreg.gather [hbm4b:s5+s3], $0x80, v7, vm0, $0xb8;
	[tilespmem:$0x19800] =	vst v63  }
0x36b: {  	_ =	swait.ge [sflag:s22], $0x8000  }
0x36c: {  	[sflag:s22] =	ssyncset.done $0x0  }
0x36d: {  	s11 =	rddreg [dreg:$0xd];
	[sflag:s22] =	ssyncadd.s32 $0xFFFF8000  }
0x36e: {  	[hbm4b:s11+s3] =	stream.linear.scatter [tilespmem:s2], [sflag:$0x6], $0x8000, $0x38;
	[tilespmem:$0x19800] =	vst v63  }
0x36f: {  	_ =	swait.ge [sflag:s6], $0x8000  }
0x370: {  	[sflag:s6] =	ssyncset.done $0x0  }
0x371: {  	[sflag:s6] =	ssyncadd.s32 $0xFFFF8000  }
0x372: {  	v7 =	vld [tilespmem:$0x1580];
	_ =	sdelay $0x4  }
0x373: {  	v8 =	vshll.u32 v7, $0x2  }
0x374: {  	v7 =	vand.u32 $0x7, v7;
	v8 =	vand.u32 $0xFFFFFFE0, v8  }
0x375: {  	v7 =	vor.u32 v7, v8  }
0x376: {  	v8 =	vperm.xlane v7, v4;
	_ =	sdelay $0x1  }
0x377: {  	v8 =	vadd.s32 v5, v8;
	_ =	sdelay $0x1  }
0x378: {  	v7 =	vperm.xlane v7, v6;
	_ =	sdelay $0x1  }
0x379: {  	v7 =	vadd.s32 v5, v7  }
0x37a: {  	[tilespmem:s2], [sflag:$0x3] =	stream.indirect_vreg.gather [hbm4b:s1+s3], $0x80, v8, vm0, $0xb8;
	[tilespmem:$0x19800] =	vst v63  }
0x37b: {  	s16 =	simm.s32 $0x12000  }
0x37c: {  	[tilespmem:s16], [sflag:$0x3] =	stream.indirect_vreg.gather [hbm4b:s5+s3], $0x80, v8, vm0, $0xb8;
	[tilespmem:$0x19800] =	vst v63  }
0x37d: {  	s31 =	simm.s32 $0x12800  }
0x37e: {  	[tilespmem:s31], [sflag:$0x3] =	stream.indirect_vreg.gather [hbm4b:s1+s3], $0x80, v7, vm0, $0xb8;
	[tilespmem:$0x19800] =	vst v63  }
0x37f: {  	s12 =	simm.s32 $0x13000  }
0x380: {  	[tilespmem:s12], [sflag:$0x3] =	stream.indirect_vreg.gather [hbm4b:s5+s3], $0x80, v7, vm0, $0xb8;
	[tilespmem:$0x19800] =	vst v63  }
0x381: {  	v7 =	vld [tilespmem:$0x1590];
	_ =	sdelay $0x4  }
0x382: {  	v8 =	vshll.u32 v7, $0x2  }
0x383: {  	v7 =	vand.u32 $0x7, v7;
	v8 =	vand.u32 $0xFFFFFFE0, v8  }
0x384: {  	v7 =	vor.u32 v7, v8  }
0x385: {  	v8 =	vperm.xlane v7, v4;
	_ =	sdelay $0x1  }
0x386: {  	v8 =	vadd.s32 v5, v8;
	_ =	sdelay $0x1  }
0x387: {  	v7 =	vperm.xlane v7, v6;
	_ =	sdelay $0x1  }
0x388: {  	s13 =	simm.s32 $0x13800;
	v7 =	vadd.s32 v5, v7  }
0x389: {  	[tilespmem:s13], [sflag:$0x3] =	stream.indirect_vreg.gather [hbm4b:s1+s3], $0x80, v8, vm0, $0xb8;
	[tilespmem:$0x19800] =	vst v63  }
0x38a: {  	s14 =	simm.s32 $0x14000  }
0x38b: {  	[tilespmem:s14], [sflag:$0x3] =	stream.indirect_vreg.gather [hbm4b:s5+s3], $0x80, v8, vm0, $0xb8;
	[tilespmem:$0x19800] =	vst v63  }
0x38c: {  	s15 =	simm.s32 $0x14800  }
0x38d: {  	[tilespmem:s15], [sflag:$0x3] =	stream.indirect_vreg.gather [hbm4b:s1+s3], $0x80, v7, vm0, $0xb8;
	[tilespmem:$0x19800] =	vst v63  }
0x38e: {  	s24 =	simm.s32 $0x15000  }
0x38f: {  	[tilespmem:s24], [sflag:$0x3] =	stream.indirect_vreg.gather [hbm4b:s5+s3], $0x80, v7, vm0, $0xb8;
	[tilespmem:$0x19800] =	vst v63  }
0x390: {  	v7 =	vld [tilespmem:$0x15A0];
	_ =	sdelay $0x4  }
0x391: {  	v8 =	vshll.u32 v7, $0x2  }
0x392: {  	v7 =	vand.u32 $0x7, v7;
	v8 =	vand.u32 $0xFFFFFFE0, v8  }
0x393: {  	v7 =	vor.u32 v7, v8  }
0x394: {  	v8 =	vperm.xlane v7, v4;
	_ =	sdelay $0x1  }
0x395: {  	v8 =	vadd.s32 v5, v8;
	_ =	sdelay $0x1  }
0x396: {  	v7 =	vperm.xlane v7, v6;
	_ =	sdelay $0x1  }
0x397: {  	s9 =	simm.s32 $0x15800;
	v7 =	vadd.s32 v5, v7  }
0x398: {  	[tilespmem:s9], [sflag:$0x3] =	stream.indirect_vreg.gather [hbm4b:s1+s3], $0x80, v8, vm0, $0xb8;
	[tilespmem:$0x19800] =	vst v63  }
0x399: {  	s10 =	simm.s32 $0x16000  }
0x39a: {  	[tilespmem:s10], [sflag:$0x3] =	stream.indirect_vreg.gather [hbm4b:s5+s3], $0x80, v8, vm0, $0xb8;
	[tilespmem:$0x19800] =	vst v63  }
0x39b: {  	s11 =	simm.s32 $0x16800  }
0x39c: {  	[tilespmem:s11], [sflag:$0x3] =	stream.indirect_vreg.gather [hbm4b:s1+s3], $0x80, v7, vm0, $0xb8;
	[tilespmem:$0x19800] =	vst v63  }
0x39d: {  	s12 =	simm.s32 $0x17000  }
0x39e: {  	[tilespmem:s12], [sflag:$0x3] =	stream.indirect_vreg.gather [hbm4b:s5+s3], $0x80, v7, vm0, $0xb8;
	[tilespmem:$0x19800] =	vst v63  }
0x39f: {  	v7 =	vld [tilespmem:$0x15B0];
	_ =	sdelay $0x4  }
0x3a0: {  	v8 =	vshll.u32 v7, $0x2  }
0x3a1: {  	v7 =	vand.u32 $0x7, v7;
	v8 =	vand.u32 $0xFFFFFFE0, v8  }
0x3a2: {  	v7 =	vor.u32 v7, v8  }
0x3a3: {  	v8 =	vperm.xlane v7, v4;
	_ =	sdelay $0x1  }
0x3a4: {  	v8 =	vadd.s32 v5, v8;
	_ =	sdelay $0x1  }
0x3a5: {  	v7 =	vperm.xlane v7, v6;
	_ =	sdelay $0x1  }
0x3a6: {  	s13 =	simm.s32 $0x17800;
	v7 =	vadd.s32 v5, v7  }
0x3a7: {  	[tilespmem:s13], [sflag:$0x3] =	stream.indirect_vreg.gather [hbm4b:s1+s3], $0x80, v8, vm0, $0xb8;
	[tilespmem:$0x19800] =	vst v63  }
0x3a8: {  	s14 =	simm.s32 $0x18000  }
0x3a9: {  	[tilespmem:s14], [sflag:$0x3] =	stream.indirect_vreg.gather [hbm4b:s5+s3], $0x80, v8, vm0, $0xb8;
	[tilespmem:$0x19800] =	vst v63  }
0x3aa: {  	s15 =	simm.s32 $0x18800  }
0x3ab: {  	[tilespmem:s15], [sflag:$0x3] =	stream.indirect_vreg.gather [hbm4b:s1+s3], $0x80, v7, vm0, $0xb8;
	[tilespmem:$0x19800] =	vst v63  }
0x3ac: {  	s24 =	simm.s32 $0x19000  }
0x3ad: {  	[tilespmem:s24], [sflag:$0x3] =	stream.indirect_vreg.gather [hbm4b:s5+s3], $0x80, v7, vm0, $0xb8;
	[tilespmem:$0x19800] =	vst v63  }
0x3ae: {  	_ =	swait.ge [sflag:s17], $0x8000  }
0x3af: {  	[sflag:s17] =	ssyncset.done $0x0  }
0x3b0: {  	s15 =	rddreg [dreg:$0xe];
	[sflag:s17] =	ssyncadd.s32 $0xFFFF8000  }
0x3b1: {  	[hbm4b:s15+s3] =	stream.linear.scatter [tilespmem:s25], [sflag:$0x4], $0x8000, $0x38;
	[tilespmem:$0x19800] =	vst v63  }
0x3b2: {  	_ =	swait.ge [sflag:s18], $0x8000  }
0x3b3: {  	[sflag:s18] =	ssyncset.done $0x0  }
0x3b4: {  	[sflag:s18] =	ssyncadd.s32 $0xFFFF8000  }
0x3b5: {  	v7 =	vld [tilespmem:$0x1600];
	_ =	sdelay $0x4  }
0x3b6: {  	v8 =	vshll.u32 v7, $0x2  }
0x3b7: {  	v7 =	vand.u32 $0x7, v7;
	v8 =	vand.u32 $0xFFFFFFE0, v8  }
0x3b8: {  	v7 =	vor.u32 v7, v8  }
0x3b9: {  	v8 =	vperm.xlane v7, v4;
	_ =	sdelay $0x1  }
0x3ba: {  	v8 =	vadd.s32 v5, v8;
	_ =	sdelay $0x1  }
0x3bb: {  	v7 =	vperm.xlane v7, v6;
	_ =	sdelay $0x1  }
0x3bc: {  	v7 =	vadd.s32 v5, v7  }
0x3bd: {  	[tilespmem:s25], [sflag:$0x1] =	stream.indirect_vreg.gather [hbm4b:s1+s3], $0x80, v8, vm0, $0xb8;
	[tilespmem:$0x19800] =	vst v63  }
0x3be: {  	s23 =	simm.s32 $0x2000  }
0x3bf: {  	[tilespmem:s23], [sflag:$0x1] =	stream.indirect_vreg.gather [hbm4b:s5+s3], $0x80, v8, vm0, $0xb8;
	[tilespmem:$0x19800] =	vst v63  }
0x3c0: {  	s29 =	simm.s32 $0x2800  }
0x3c1: {  	[tilespmem:s29], [sflag:$0x1] =	stream.indirect_vreg.gather [hbm4b:s1+s3], $0x80, v7, vm0, $0xb8;
	[tilespmem:$0x19800] =	vst v63  }
0x3c2: {  	s24 =	simm.s32 $0x3000  }
0x3c3: {  	[tilespmem:s24], [sflag:$0x1] =	stream.indirect_vreg.gather [hbm4b:s5+s3], $0x80, v7, vm0, $0xb8;
	[tilespmem:$0x19800] =	vst v63  }
0x3c4: {  	v7 =	vld [tilespmem:$0x1610];
	_ =	sdelay $0x4  }
0x3c5: {  	v8 =	vshll.u32 v7, $0x2  }
0x3c6: {  	v7 =	vand.u32 $0x7, v7;
	v8 =	vand.u32 $0xFFFFFFE0, v8  }
0x3c7: {  	v7 =	vor.u32 v7, v8  }
0x3c8: {  	v8 =	vperm.xlane v7, v4;
	_ =	sdelay $0x1  }
0x3c9: {  	v8 =	vadd.s32 v5, v8;
	_ =	sdelay $0x1  }
0x3ca: {  	v7 =	vperm.xlane v7, v6;
	_ =	sdelay $0x1  }
0x3cb: {  	s28 =	simm.s32 $0x3800;
	v7 =	vadd.s32 v5, v7  }
0x3cc: {  	[tilespmem:s28], [sflag:$0x1] =	stream.indirect_vreg.gather [hbm4b:s1+s3], $0x80, v8, vm0, $0xb8;
	[tilespmem:$0x19800] =	vst v63  }
0x3cd: {  	s28 =	simm.s32 $0x4000  }
0x3ce: {  	[tilespmem:s28], [sflag:$0x1] =	stream.indirect_vreg.gather [hbm4b:s5+s3], $0x80, v8, vm0, $0xb8;
	[tilespmem:$0x19800] =	vst v63  }
0x3cf: {  	s24 =	simm.s32 $0x4800  }
0x3d0: {  	[tilespmem:s24], [sflag:$0x1] =	stream.indirect_vreg.gather [hbm4b:s1+s3], $0x80, v7, vm0, $0xb8;
	[tilespmem:$0x19800] =	vst v63  }
0x3d1: {  	s0 =	simm.s32 $0x5000  }
0x3d2: {  	[tilespmem:s0], [sflag:$0x1] =	stream.indirect_vreg.gather [hbm4b:s5+s3], $0x80, v7, vm0, $0xb8;
	[tilespmem:$0x19800] =	vst v63  }
0x3d3: {  	v7 =	vld [tilespmem:$0x1620];
	_ =	sdelay $0x4  }
0x3d4: {  	v8 =	vshll.u32 v7, $0x2  }
0x3d5: {  	v7 =	vand.u32 $0x7, v7;
	v8 =	vand.u32 $0xFFFFFFE0, v8  }
0x3d6: {  	v7 =	vor.u32 v7, v8  }
0x3d7: {  	v8 =	vperm.xlane v7, v4;
	_ =	sdelay $0x1  }
0x3d8: {  	v8 =	vadd.s32 v5, v8;
	_ =	sdelay $0x1  }
0x3d9: {  	v7 =	vperm.xlane v7, v6;
	_ =	sdelay $0x1  }
0x3da: {  	s0 =	simm.s32 $0x5800;
	v7 =	vadd.s32 v5, v7  }
0x3db: {  	[tilespmem:s0], [sflag:$0x1] =	stream.indirect_vreg.gather [hbm4b:s1+s3], $0x80, v8, vm0, $0xb8;
	[tilespmem:$0x19800] =	vst v63  }
0x3dc: {  	s0 =	simm.s32 $0x6000  }
0x3dd: {  	[tilespmem:s0], [sflag:$0x1] =	stream.indirect_vreg.gather [hbm4b:s5+s3], $0x80, v8, vm0, $0xb8;
	[tilespmem:$0x19800] =	vst v63  }
0x3de: {  	s0 =	simm.s32 $0x6800  }
0x3df: {  	[tilespmem:s0], [sflag:$0x1] =	stream.indirect_vreg.gather [hbm4b:s1+s3], $0x80, v7, vm0, $0xb8;
	[tilespmem:$0x19800] =	vst v63  }
0x3e0: {  	s0 =	simm.s32 $0x7000  }
0x3e1: {  	[tilespmem:s0], [sflag:$0x1] =	stream.indirect_vreg.gather [hbm4b:s5+s3], $0x80, v7, vm0, $0xb8;
	[tilespmem:$0x19800] =	vst v63  }
0x3e2: {  	v7 =	vld [tilespmem:$0x1630];
	_ =	sdelay $0x4  }
0x3e3: {  	v8 =	vshll.u32 v7, $0x2  }
0x3e4: {  	v7 =	vand.u32 $0x7, v7;
	v8 =	vand.u32 $0xFFFFFFE0, v8  }
0x3e5: {  	v7 =	vor.u32 v7, v8  }
0x3e6: {  	v8 =	vperm.xlane v7, v4;
	_ =	sdelay $0x1  }
0x3e7: {  	v8 =	vadd.s32 v5, v8;
	_ =	sdelay $0x1  }
0x3e8: {  	v7 =	vperm.xlane v7, v6;
	_ =	sdelay $0x1  }
0x3e9: {  	s0 =	simm.s32 $0x7800;
	v7 =	vadd.s32 v5, v7  }
0x3ea: {  	[tilespmem:s0], [sflag:$0x1] =	stream.indirect_vreg.gather [hbm4b:s1+s3], $0x80, v8, vm0, $0xb8;
	[tilespmem:$0x19800] =	vst v63  }
0x3eb: {  	s0 =	simm.s32 $0x8000  }
0x3ec: {  	[tilespmem:s0], [sflag:$0x1] =	stream.indirect_vreg.gather [hbm4b:s5+s3], $0x80, v8, vm0, $0xb8;
	[tilespmem:$0x19800] =	vst v63  }
0x3ed: {  	s0 =	simm.s32 $0x8800  }
0x3ee: {  	[tilespmem:s0], [sflag:$0x1] =	stream.indirect_vreg.gather [hbm4b:s1+s3], $0x80, v7, vm0, $0xb8;
	[tilespmem:$0x19800] =	vst v63  }
0x3ef: {  	s0 =	simm.s32 $0x9000  }
0x3f0: {  	[tilespmem:s0], [sflag:$0x1] =	stream.indirect_vreg.gather [hbm4b:s5+s3], $0x80, v7, vm0, $0xb8;
	[tilespmem:$0x19800] =	vst v63  }
0x3f1: {  	_ =	swait.ge [sflag:s19], $0x8000  }
0x3f2: {  	[sflag:s19] =	ssyncset.done $0x0  }
0x3f3: {  	s0 =	rddreg [dreg:$0xf];
	[sflag:s19] =	ssyncadd.s32 $0xFFFF8000  }
0x3f4: {  	[hbm4b:s0+s3] =	stream.linear.scatter [tilespmem:s20], [sflag:$0x5], $0x8000, $0x38;
	[tilespmem:$0x19800] =	vst v63  }
0x3f5: {  	_ =	swait.ge [sflag:s21], $0x8000  }
0x3f6: {  	[sflag:s21] =	ssyncset.done $0x0  }
0x3f7: {  	[sflag:s21] =	ssyncadd.s32 $0xFFFF8000  }
0x3f8: {  	v7 =	vld [tilespmem:$0x1680];
	_ =	sdelay $0x4  }
0x3f9: {  	v8 =	vshll.u32 v7, $0x2  }
0x3fa: {  	v7 =	vand.u32 $0x7, v7;
	v8 =	vand.u32 $0xFFFFFFE0, v8  }
0x3fb: {  	v7 =	vor.u32 v7, v8  }
0x3fc: {  	v8 =	vperm.xlane v7, v4;
	_ =	sdelay $0x1  }
0x3fd: {  	v8 =	vadd.s32 v5, v8;
	_ =	sdelay $0x1  }
0x3fe: {  	v7 =	vperm.xlane v7, v6;
	_ =	sdelay $0x1  }
0x3ff: {  	v7 =	vadd.s32 v5, v7  }
0x400: {  	[tilespmem:s20], [sflag:$0x2] =	stream.indirect_vreg.gather [hbm4b:s1+s3], $0x80, v8, vm0, $0xb8;
	[tilespmem:$0x19800] =	vst v63  }
0x401: {  	s0 =	simm.s32 $0xA000  }
0x402: {  	[tilespmem:s0], [sflag:$0x2] =	stream.indirect_vreg.gather [hbm4b:s5+s3], $0x80, v8, vm0, $0xb8;
	[tilespmem:$0x19800] =	vst v63  }
0x403: {  	s0 =	simm.s32 $0xA800  }
0x404: {  	[tilespmem:s0], [sflag:$0x2] =	stream.indirect_vreg.gather [hbm4b:s1+s3], $0x80, v7, vm0, $0xb8;
	[tilespmem:$0x19800] =	vst v63  }
0x405: {  	s0 =	simm.s32 $0xB000  }
0x406: {  	[tilespmem:s0], [sflag:$0x2] =	stream.indirect_vreg.gather [hbm4b:s5+s3], $0x80, v7, vm0, $0xb8;
	[tilespmem:$0x19800] =	vst v63  }
0x407: {  	v7 =	vld [tilespmem:$0x1690];
	_ =	sdelay $0x4  }
0x408: {  	v8 =	vshll.u32 v7, $0x2  }
0x409: {  	v7 =	vand.u32 $0x7, v7;
	v8 =	vand.u32 $0xFFFFFFE0, v8  }
0x40a: {  	v7 =	vor.u32 v7, v8  }
0x40b: {  	v8 =	vperm.xlane v7, v4;
	_ =	sdelay $0x1  }
0x40c: {  	v8 =	vadd.s32 v5, v8;
	_ =	sdelay $0x1  }
0x40d: {  	v7 =	vperm.xlane v7, v6;
	_ =	sdelay $0x1  }
0x40e: {  	s0 =	simm.s32 $0xB800;
	v7 =	vadd.s32 v5, v7  }
0x40f: {  	[tilespmem:s0], [sflag:$0x2] =	stream.indirect_vreg.gather [hbm4b:s1+s3], $0x80, v8, vm0, $0xb8;
	[tilespmem:$0x19800] =	vst v63  }
0x410: {  	s0 =	simm.s32 $0xC000  }
0x411: {  	[tilespmem:s0], [sflag:$0x2] =	stream.indirect_vreg.gather [hbm4b:s5+s3], $0x80, v8, vm0, $0xb8;
	[tilespmem:$0x19800] =	vst v63  }
0x412: {  	s0 =	simm.s32 $0xC800  }
0x413: {  	[tilespmem:s0], [sflag:$0x2] =	stream.indirect_vreg.gather [hbm4b:s1+s3], $0x80, v7, vm0, $0xb8;
	[tilespmem:$0x19800] =	vst v63  }
0x414: {  	s0 =	simm.s32 $0xD000  }
0x415: {  	[tilespmem:s0], [sflag:$0x2] =	stream.indirect_vreg.gather [hbm4b:s5+s3], $0x80, v7, vm0, $0xb8;
	[tilespmem:$0x19800] =	vst v63  }
0x416: {  	v7 =	vld [tilespmem:$0x16A0];
	_ =	sdelay $0x4  }
0x417: {  	v8 =	vshll.u32 v7, $0x2  }
0x418: {  	v7 =	vand.u32 $0x7, v7;
	v8 =	vand.u32 $0xFFFFFFE0, v8  }
0x419: {  	v7 =	vor.u32 v7, v8  }
0x41a: {  	v8 =	vperm.xlane v7, v4;
	_ =	sdelay $0x1  }
0x41b: {  	v8 =	vadd.s32 v5, v8;
	_ =	sdelay $0x1  }
0x41c: {  	v7 =	vperm.xlane v7, v6;
	_ =	sdelay $0x1  }
0x41d: {  	s0 =	simm.s32 $0xD800;
	v7 =	vadd.s32 v5, v7  }
0x41e: {  	[tilespmem:s0], [sflag:$0x2] =	stream.indirect_vreg.gather [hbm4b:s1+s3], $0x80, v8, vm0, $0xb8;
	[tilespmem:$0x19800] =	vst v63  }
0x41f: {  	s0 =	simm.s32 $0xE000  }
0x420: {  	[tilespmem:s0], [sflag:$0x2] =	stream.indirect_vreg.gather [hbm4b:s5+s3], $0x80, v8, vm0, $0xb8;
	[tilespmem:$0x19800] =	vst v63  }
0x421: {  	s0 =	simm.s32 $0xE800  }
0x422: {  	[tilespmem:s0], [sflag:$0x2] =	stream.indirect_vreg.gather [hbm4b:s1+s3], $0x80, v7, vm0, $0xb8;
	[tilespmem:$0x19800] =	vst v63  }
0x423: {  	s0 =	simm.s32 $0xF000  }
0x424: {  	[tilespmem:s0], [sflag:$0x2] =	stream.indirect_vreg.gather [hbm4b:s5+s3], $0x80, v7, vm0, $0xb8;
	[tilespmem:$0x19800] =	vst v63  }
0x425: {  	v7 =	vld [tilespmem:$0x16B0];
	_ =	sdelay $0x4  }
0x426: {  	v8 =	vshll.u32 v7, $0x2  }
0x427: {  	v7 =	vand.u32 $0x7, v7;
	v8 =	vand.u32 $0xFFFFFFE0, v8  }
0x428: {  	v7 =	vor.u32 v7, v8  }
0x429: {  	v8 =	vperm.xlane v7, v4;
	_ =	sdelay $0x1  }
0x42a: {  	v8 =	vadd.s32 v5, v8;
	_ =	sdelay $0x1  }
0x42b: {  	v7 =	vperm.xlane v7, v6;
	_ =	sdelay $0x1  }
0x42c: {  	s0 =	simm.s32 $0xF800;
	v7 =	vadd.s32 v5, v7  }
0x42d: {  	[tilespmem:s0], [sflag:$0x2] =	stream.indirect_vreg.gather [hbm4b:s1+s3], $0x80, v8, vm0, $0xb8;
	[tilespmem:$0x19800] =	vst v63  }
0x42e: {  	s0 =	simm.s32 $0x10000  }
0x42f: {  	[tilespmem:s0], [sflag:$0x2] =	stream.indirect_vreg.gather [hbm4b:s5+s3], $0x80, v8, vm0, $0xb8;
	[tilespmem:$0x19800] =	vst v63  }
0x430: {  	s0 =	simm.s32 $0x10800  }
0x431: {  	[tilespmem:s0], [sflag:$0x2] =	stream.indirect_vreg.gather [hbm4b:s1+s3], $0x80, v7, vm0, $0xb8;
	[tilespmem:$0x19800] =	vst v63  }
0x432: {  	s0 =	simm.s32 $0x11000  }
0x433: {  	[tilespmem:s0], [sflag:$0x2] =	stream.indirect_vreg.gather [hbm4b:s5+s3], $0x80, v7, vm0, $0xb8;
	[tilespmem:$0x19800] =	vst v63  }
0x434: {  	_ =	swait.ge [sflag:s22], $0x8000  }
0x435: {  	[sflag:s22] =	ssyncset.done $0x0  }
0x436: {  	s0 =	rddreg [dreg:$0x10];
	[sflag:s22] =	ssyncadd.s32 $0xFFFF8000  }
0x437: {  	[hbm4b:s0+s3] =	stream.linear.scatter [tilespmem:s2], [sflag:$0x6], $0x8000, $0x38;
	[tilespmem:$0x19800] =	vst v63  }
0x438: {  	_ =	swait.ge [sflag:s6], $0x8000  }
0x439: {  	[sflag:s6] =	ssyncset.done $0x0  }
0x43a: {  	[sflag:s6] =	ssyncadd.s32 $0xFFFF8000  }
0x43b: {  	v7 =	vld [tilespmem:$0x1700];
	_ =	sdelay $0x4  }
0x43c: {  	v8 =	vshll.u32 v7, $0x2  }
0x43d: {  	v7 =	vand.u32 $0x7, v7;
	v8 =	vand.u32 $0xFFFFFFE0, v8  }
0x43e: {  	v7 =	vor.u32 v7, v8  }
0x43f: {  	v8 =	vperm.xlane v7, v4;
	_ =	sdelay $0x1  }
0x440: {  	v8 =	vadd.s32 v5, v8;
	_ =	sdelay $0x1  }
0x441: {  	v7 =	vperm.xlane v7, v6;
	_ =	sdelay $0x1  }
0x442: {  	v7 =	vadd.s32 v5, v7  }
0x443: {  	[tilespmem:s2], [sflag:$0x3] =	stream.indirect_vreg.gather [hbm4b:s1+s3], $0x80, v8, vm0, $0xb8;
	[tilespmem:$0x19800] =	vst v63  }
0x444: {  	s8 =	simm.s32 $0x12000  }
0x445: {  	[tilespmem:s8], [sflag:$0x3] =	stream.indirect_vreg.gather [hbm4b:s5+s3], $0x80, v8, vm0, $0xb8;
	[tilespmem:$0x19800] =	vst v63  }
0x446: {  	s16 =	simm.s32 $0x12800  }
0x447: {  	[tilespmem:s16], [sflag:$0x3] =	stream.indirect_vreg.gather [hbm4b:s1+s3], $0x80, v7, vm0, $0xb8;
	[tilespmem:$0x19800] =	vst v63  }
0x448: {  	s16 =	simm.s32 $0x13000  }
0x449: {  	[tilespmem:s16], [sflag:$0x3] =	stream.indirect_vreg.gather [hbm4b:s5+s3], $0x80, v7, vm0, $0xb8;
	[tilespmem:$0x19800] =	vst v63  }
0x44a: {  	v7 =	vld [tilespmem:$0x1710];
	_ =	sdelay $0x4  }
0x44b: {  	v8 =	vshll.u32 v7, $0x2  }
0x44c: {  	v7 =	vand.u32 $0x7, v7;
	v8 =	vand.u32 $0xFFFFFFE0, v8  }
0x44d: {  	v7 =	vor.u32 v7, v8  }
0x44e: {  	v8 =	vperm.xlane v7, v4;
	_ =	sdelay $0x1  }
0x44f: {  	v8 =	vadd.s32 v5, v8;
	_ =	sdelay $0x1  }
0x450: {  	v7 =	vperm.xlane v7, v6;
	_ =	sdelay $0x1  }
0x451: {  	s30 =	simm.s32 $0x13800;
	v7 =	vadd.s32 v5, v7  }
0x452: {  	[tilespmem:s30], [sflag:$0x3] =	stream.indirect_vreg.gather [hbm4b:s1+s3], $0x80, v8, vm0, $0xb8;
	[tilespmem:$0x19800] =	vst v63  }
0x453: {  	s31 =	simm.s32 $0x14000  }
0x454: {  	[tilespmem:s31], [sflag:$0x3] =	stream.indirect_vreg.gather [hbm4b:s5+s3], $0x80, v8, vm0, $0xb8;
	[tilespmem:$0x19800] =	vst v63  }
0x455: {  	s7 =	simm.s32 $0x14800  }
0x456: {  	[tilespmem:s7], [sflag:$0x3] =	stream.indirect_vreg.gather [hbm4b:s1+s3], $0x80, v7, vm0, $0xb8;
	[tilespmem:$0x19800] =	vst v63  }
0x457: {  	s30 =	simm.s32 $0x15000  }
0x458: {  	[tilespmem:s30], [sflag:$0x3] =	stream.indirect_vreg.gather [hbm4b:s5+s3], $0x80, v7, vm0, $0xb8;
	[tilespmem:$0x19800] =	vst v63  }
0x459: {  	v7 =	vld [tilespmem:$0x1720];
	_ =	sdelay $0x4  }
0x45a: {  	v8 =	vshll.u32 v7, $0x2  }
0x45b: {  	v7 =	vand.u32 $0x7, v7;
	v8 =	vand.u32 $0xFFFFFFE0, v8  }
0x45c: {  	v7 =	vor.u32 v7, v8  }
0x45d: {  	v8 =	vperm.xlane v7, v4;
	_ =	sdelay $0x1  }
0x45e: {  	v8 =	vadd.s32 v5, v8;
	_ =	sdelay $0x1  }
0x45f: {  	v7 =	vperm.xlane v7, v6;
	_ =	sdelay $0x1  }
0x460: {  	s9 =	simm.s32 $0x15800;
	v7 =	vadd.s32 v5, v7  }
0x461: {  	[tilespmem:s9], [sflag:$0x3] =	stream.indirect_vreg.gather [hbm4b:s1+s3], $0x80, v8, vm0, $0xb8;
	[tilespmem:$0x19800] =	vst v63  }
0x462: {  	s10 =	simm.s32 $0x16000  }
0x463: {  	[tilespmem:s10], [sflag:$0x3] =	stream.indirect_vreg.gather [hbm4b:s5+s3], $0x80, v8, vm0, $0xb8;
	[tilespmem:$0x19800] =	vst v63  }
0x464: {  	s11 =	simm.s32 $0x16800  }
0x465: {  	[tilespmem:s11], [sflag:$0x3] =	stream.indirect_vreg.gather [hbm4b:s1+s3], $0x80, v7, vm0, $0xb8;
	[tilespmem:$0x19800] =	vst v63  }
0x466: {  	s31 =	simm.s32 $0x17000  }
0x467: {  	[tilespmem:s31], [sflag:$0x3] =	stream.indirect_vreg.gather [hbm4b:s5+s3], $0x80, v7, vm0, $0xb8;
	[tilespmem:$0x19800] =	vst v63  }
0x468: {  	v7 =	vld [tilespmem:$0x1730];
	_ =	sdelay $0x4  }
0x469: {  	v8 =	vshll.u32 v7, $0x2  }
0x46a: {  	v7 =	vand.u32 $0x7, v7;
	v8 =	vand.u32 $0xFFFFFFE0, v8  }
0x46b: {  	v7 =	vor.u32 v7, v8  }
0x46c: {  	v8 =	vperm.xlane v7, v4;
	_ =	sdelay $0x1  }
0x46d: {  	v8 =	vadd.s32 v5, v8;
	_ =	sdelay $0x1  }
0x46e: {  	v7 =	vperm.xlane v7, v6;
	_ =	sdelay $0x1  }
0x46f: {  	s12 =	simm.s32 $0x17800;
	v7 =	vadd.s32 v5, v7  }
0x470: {  	[tilespmem:s12], [sflag:$0x3] =	stream.indirect_vreg.gather [hbm4b:s1+s3], $0x80, v8, vm0, $0xb8;
	[tilespmem:$0x19800] =	vst v63  }
0x471: {  	s13 =	simm.s32 $0x18000  }
0x472: {  	[tilespmem:s13], [sflag:$0x3] =	stream.indirect_vreg.gather [hbm4b:s5+s3], $0x80, v8, vm0, $0xb8;
	[tilespmem:$0x19800] =	vst v63  }
0x473: {  	s14 =	simm.s32 $0x18800  }
0x474: {  	[tilespmem:s14], [sflag:$0x3] =	stream.indirect_vreg.gather [hbm4b:s1+s3], $0x80, v7, vm0, $0xb8;
	[tilespmem:$0x19800] =	vst v63  }
0x475: {  	s7 =	simm.s32 $0x19000  }
0x476: {  	[tilespmem:s7], [sflag:$0x3] =	stream.indirect_vreg.gather [hbm4b:s5+s3], $0x80, v7, vm0, $0xb8;
	[tilespmem:$0x19800] =	vst v63  }
0x477: {  	_ =	swait.ge [sflag:s17], $0x8000  }
0x478: {  	[sflag:s17] =	ssyncset.done $0x0  }
0x479: {  	s8 =	rddreg [dreg:$0x11];
	[sflag:s17] =	ssyncadd.s32 $0xFFFF8000  }
0x47a: {  	[hbm4b:s8+s3] =	stream.linear.scatter [tilespmem:s25], [sflag:$0x4], $0x8000, $0x38;
	[tilespmem:$0x19800] =	vst v63  }
0x47b: {  	_ =	swait.ge [sflag:s18], $0x8000  }
0x47c: {  	[sflag:s18] =	ssyncset.done $0x0  }
0x47d: {  	[sflag:s18] =	ssyncadd.s32 $0xFFFF8000  }
0x47e: {  	v7 =	vld [tilespmem:$0x1780];
	_ =	sdelay $0x4  }
0x47f: {  	v8 =	vshll.u32 v7, $0x2  }
0x480: {  	v7 =	vand.u32 $0x7, v7;
	v8 =	vand.u32 $0xFFFFFFE0, v8  }
0x481: {  	v7 =	vor.u32 v7, v8  }
0x482: {  	v8 =	vperm.xlane v7, v4;
	_ =	sdelay $0x1  }
0x483: {  	v8 =	vadd.s32 v5, v8;
	_ =	sdelay $0x1  }
0x484: {  	v7 =	vperm.xlane v7, v6;
	_ =	sdelay $0x1  }
0x485: {  	v7 =	vadd.s32 v5, v7  }
0x486: {  	[tilespmem:s25], [sflag:$0x1] =	stream.indirect_vreg.gather [hbm4b:s1+s3], $0x80, v8, vm0, $0xb8;
	[tilespmem:$0x19800] =	vst v63  }
0x487: {  	s15 =	simm.s32 $0x2000  }
0x488: {  	[tilespmem:s15], [sflag:$0x1] =	stream.indirect_vreg.gather [hbm4b:s5+s3], $0x80, v8, vm0, $0xb8;
	[tilespmem:$0x19800] =	vst v63  }
0x489: {  	s23 =	simm.s32 $0x2800  }
0x48a: {  	[tilespmem:s23], [sflag:$0x1] =	stream.indirect_vreg.gather [hbm4b:s1+s3], $0x80, v7, vm0, $0xb8;
	[tilespmem:$0x19800] =	vst v63  }
0x48b: {  	s9 =	simm.s32 $0x3000  }
0x48c: {  	[tilespmem:s9], [sflag:$0x1] =	stream.indirect_vreg.gather [hbm4b:s5+s3], $0x80, v7, vm0, $0xb8;
	[tilespmem:$0x19800] =	vst v63  }
0x48d: {  	v7 =	vld [tilespmem:$0x1790];
	_ =	sdelay $0x4  }
0x48e: {  	v8 =	vshll.u32 v7, $0x2  }
0x48f: {  	v7 =	vand.u32 $0x7, v7;
	v8 =	vand.u32 $0xFFFFFFE0, v8  }
0x490: {  	v7 =	vor.u32 v7, v8  }
0x491: {  	v8 =	vperm.xlane v7, v4;
	_ =	sdelay $0x1  }
0x492: {  	v8 =	vadd.s32 v5, v8;
	_ =	sdelay $0x1  }
0x493: {  	v7 =	vperm.xlane v7, v6;
	_ =	sdelay $0x1  }
0x494: {  	s29 =	simm.s32 $0x3800;
	v7 =	vadd.s32 v5, v7  }
0x495: {  	[tilespmem:s29], [sflag:$0x1] =	stream.indirect_vreg.gather [hbm4b:s1+s3], $0x80, v8, vm0, $0xb8;
	[tilespmem:$0x19800] =	vst v63  }
0x496: {  	s28 =	simm.s32 $0x4000  }
0x497: {  	[tilespmem:s28], [sflag:$0x1] =	stream.indirect_vreg.gather [hbm4b:s5+s3], $0x80, v8, vm0, $0xb8;
	[tilespmem:$0x19800] =	vst v63  }
0x498: {  	s24 =	simm.s32 $0x4800  }
0x499: {  	[tilespmem:s24], [sflag:$0x1] =	stream.indirect_vreg.gather [hbm4b:s1+s3], $0x80, v7, vm0, $0xb8;
	[tilespmem:$0x19800] =	vst v63  }
0x49a: {  	s10 =	simm.s32 $0x5000  }
0x49b: {  	[tilespmem:s10], [sflag:$0x1] =	stream.indirect_vreg.gather [hbm4b:s5+s3], $0x80, v7, vm0, $0xb8;
	[tilespmem:$0x19800] =	vst v63  }
0x49c: {  	v7 =	vld [tilespmem:$0x17A0];
	_ =	sdelay $0x4  }
0x49d: {  	v8 =	vshll.u32 v7, $0x2  }
0x49e: {  	v7 =	vand.u32 $0x7, v7;
	v8 =	vand.u32 $0xFFFFFFE0, v8  }
0x49f: {  	v7 =	vor.u32 v7, v8  }
0x4a0: {  	v8 =	vperm.xlane v7, v4;
	_ =	sdelay $0x1  }
0x4a1: {  	v8 =	vadd.s32 v5, v8;
	_ =	sdelay $0x1  }
0x4a2: {  	v7 =	vperm.xlane v7, v6;
	_ =	sdelay $0x1  }
0x4a3: {  	s11 =	simm.s32 $0x5800;
	v7 =	vadd.s32 v5, v7  }
0x4a4: {  	[tilespmem:s11], [sflag:$0x1] =	stream.indirect_vreg.gather [hbm4b:s1+s3], $0x80, v8, vm0, $0xb8;
	[tilespmem:$0x19800] =	vst v63  }
0x4a5: {  	s12 =	simm.s32 $0x6000  }
0x4a6: {  	[tilespmem:s12], [sflag:$0x1] =	stream.indirect_vreg.gather [hbm4b:s5+s3], $0x80, v8, vm0, $0xb8;
	[tilespmem:$0x19800] =	vst v63  }
0x4a7: {  	s13 =	simm.s32 $0x6800  }
0x4a8: {  	[tilespmem:s13], [sflag:$0x1] =	stream.indirect_vreg.gather [hbm4b:s1+s3], $0x80, v7, vm0, $0xb8;
	[tilespmem:$0x19800] =	vst v63  }
0x4a9: {  	s14 =	simm.s32 $0x7000  }
0x4aa: {  	[tilespmem:s14], [sflag:$0x1] =	stream.indirect_vreg.gather [hbm4b:s5+s3], $0x80, v7, vm0, $0xb8;
	[tilespmem:$0x19800] =	vst v63  }
0x4ab: {  	v7 =	vld [tilespmem:$0x17B0];
	_ =	sdelay $0x4  }
0x4ac: {  	v8 =	vshll.u32 v7, $0x2  }
0x4ad: {  	v7 =	vand.u32 $0x7, v7;
	v8 =	vand.u32 $0xFFFFFFE0, v8  }
0x4ae: {  	v7 =	vor.u32 v7, v8  }
0x4af: {  	v8 =	vperm.xlane v7, v4;
	_ =	sdelay $0x1  }
0x4b0: {  	v8 =	vadd.s32 v5, v8;
	_ =	sdelay $0x1  }
0x4b1: {  	v7 =	vperm.xlane v7, v6;
	_ =	sdelay $0x1  }
0x4b2: {  	s15 =	simm.s32 $0x7800;
	v7 =	vadd.s32 v5, v7  }
0x4b3: {  	[tilespmem:s15], [sflag:$0x1] =	stream.indirect_vreg.gather [hbm4b:s1+s3], $0x80, v8, vm0, $0xb8;
	[tilespmem:$0x19800] =	vst v63  }
0x4b4: {  	s16 =	simm.s32 $0x8000  }
0x4b5: {  	[tilespmem:s16], [sflag:$0x1] =	stream.indirect_vreg.gather [hbm4b:s5+s3], $0x80, v8, vm0, $0xb8;
	[tilespmem:$0x19800] =	vst v63  }
0x4b6: {  	s23 =	simm.s32 $0x8800  }
0x4b7: {  	[tilespmem:s23], [sflag:$0x1] =	stream.indirect_vreg.gather [hbm4b:s1+s3], $0x80, v7, vm0, $0xb8;
	[tilespmem:$0x19800] =	vst v63  }
0x4b8: {  	s24 =	simm.s32 $0x9000  }
0x4b9: {  	[tilespmem:s24], [sflag:$0x1] =	stream.indirect_vreg.gather [hbm4b:s5+s3], $0x80, v7, vm0, $0xb8;
	[tilespmem:$0x19800] =	vst v63  }
0x4ba: {  	_ =	swait.ge [sflag:s19], $0x8000  }
0x4bb: {  	[sflag:s19] =	ssyncset.done $0x0  }
0x4bc: {  	s28 =	rddreg [dreg:$0x12];
	[sflag:s19] =	ssyncadd.s32 $0xFFFF8000  }
0x4bd: {  	[hbm4b:s28+s3] =	stream.linear.scatter [tilespmem:s20], [sflag:$0x5], $0x8000, $0x38;
	[tilespmem:$0x19800] =	vst v63  }
0x4be: {  	_ =	swait.ge [sflag:s22], $0x8000  }
0x4bf: {  	[sflag:s22] =	ssyncset.done $0x0  }
0x4c0: {  	s29 =	rddreg [dreg:$0x13];
	[sflag:s22] =	ssyncadd.s32 $0xFFFF8000  }
0x4c1: {  	[hbm4b:s29+s3] =	stream.linear.scatter [tilespmem:s2], [sflag:$0x6], $0x8000, $0x38;
	[tilespmem:$0x19800] =	vst v63  }
0x4c2: {  	_ =	swait.ge [sflag:s17], $0x8000  }
0x4c3: {  	[sflag:s17] =	ssyncset.done $0x0  }
0x4c4: {  	s30 =	rddreg [dreg:$0x14];
	[sflag:s17] =	ssyncadd.s32 $0xFFFF8000  }
0x4c5: {  	[hbm4b:s30+s3] =	stream.linear.scatter [tilespmem:s25], [sflag:$0x4], $0x8000, $0x38;
	[tilespmem:$0x19800] =	vst v63  }
0x4c6: {  	_ =	swait.ge [sflag:s21], $0x8000  }
0x4c7: {  	[sflag:s21] =	ssyncset.done $0x0  }
0x4c8: {  	[sflag:s21] =	ssyncadd.s32 $0xFFFF8000  }
0x4c9: {  	_ =	swait.ge [sflag:s6], $0x8000  }
0x4ca: {  	[sflag:s6] =	ssyncset.done $0x0  }
0x4cb: {  	[sflag:s6] =	ssyncadd.s32 $0xFFFF8000  }
0x4cc: {  	_ =	swait.ge [sflag:s18], $0x8000  }
0x4cd: {  	s4 =	sadd.s32 $0x1, s4;
	s31 =	rddreg [dreg:$0x15]  }
0x4ce: {  	p0 =	sne.s32 s4, s31  }
.Ltmp6:
0x4cf: {  	_ = 	snop;
	(pc) =	sbr.rel @p0 .LBB2_1-.Ltmp6, $4  }
.Ltmp7:
0x4d0: {  	_ = 	snop;
	(pc) =	sbr.rel @!p0 .LBB2_14-.Ltmp7, $4  }
0x4d1: {  	_ = 	snop  }
0x4d2: {  	[sflag:s18] =	ssyncset.done $0x0  }
0x4d3: {  	[sflag:s18] =	ssyncadd.s32 $0xFFFF8000  }
0x4d4: {  	_ = 	snop  }
.LBB2_2:
.Ltmp8:
0x4d5: {  	(pc) =	sbr.rel .LBB2_9-.Ltmp8, $2  }
0x4d6: {  	_ =	sdelay $0x2  }
0x4d7: {  	_ = 	snop  }
.LBB2_4:
.Ltmp9:
0x4d8: {  	(pc) =	sbr.rel .LBB2_9-.Ltmp9, $2  }
0x4d9: {  	_ =	sdelay $0x2  }
0x4da: {  	s16 =	simm.s32 $0x0;
	s15 =	simm.s32 $0x40  }
.LBB2_6:
.Ltmp10:
0x4db: {  	(pc) =	sbr.rel .LBB2_9-.Ltmp10, $2  }
0x4dc: {  	_ =	sdelay $0x2  }
0x4dd: {  	s30 =	simm.s32 $0x0;
	s15 =	simm.s32 $0x80  }
.LBB2_14:
0x4de: {  	_ =	sfence.sel $0x180000  }
0x4df: {  	[bflag:$0x0] =	sbarrier.arrive $0xFFFF  }
0x4e0: {  	_ =	strace $0x90000047  }
0x4e1: {  	s0 =	stileid.u32;
	[bflag:$0x2] =	sbarrier.arrive $0xFFFF  }
0x4e2: {  	p0 =	sne.s32 s0, $0x0;
	s0 =	rddreg [dreg:$0x3]  }
0x4e3: {  	s0 =	sadd.s32 @!p0 $0x100000, s0  }
0x4e4: {  	[sflag:s0] =	ssyncadd.tile.s32 @!p0 $0x1;
	_ =	shalt  }
.Lfunc_end2:
_tile_overlayer_lowered:
.L_overlay_start_2:
0x4e5: {  	(tag) =	ssettag $0x2  }
0x4e6: {  	s0 =	rddreg [dreg:$0x0];
	s2 =	stileid.u32  }
0x4e7: {  	s1 =	rddreg [dreg:$0x1];
	p0 =	sne.s32 s2, $0x0  }
0x4e8: {  	s3 =	rddreg [dreg:$0x2];
	[bflag:$0x3] =	sbarrier.arrive $0xFFFF;
	s2 =	simm.s32 @!p0 $0x1C07  }
0x4e9: {  	[timem:s3], [sflag:s2] =	dma.local @!p0 [hbm:s0], s1  }
0x4ea: {  	s0 =	simm.s32 @!p0 $0x7  }
0x4eb: {  	_ =	swait.ge @!p0 [sflag:s0], s1  }
0x4ec: {  	s1 =	ssub.s32 @!p0 $0x0, s1;
	[sflag:s0] =	ssyncset.done @!p0 $0x0  }
0x4ed: {  	[sflag:s0] =	ssyncadd.s32 @!p0 s1  }
0x4ee: {  	[bflag:$0x3] =	sbarrier.arrive $0xFFFF  }
0x4ef: {  	_ =	shalt  }

</sc_bundles>
